<compile_context>
chip_gen: v7x
topology: tpu7x:2x2x1
jax: 0.10.2.dev20260603
libtpu: 0.0.44.dev20260713+nightly
codegen_flags: <defaults>
</compile_context>

<pallas_src>
import functools

import jax
import jax.numpy as jnp
from jax import lax
from jax.experimental import pallas as pl
from jax.experimental.pallas import tpu as pltpu
from jax.experimental.pallas import tpu_sc as plsc


@functools.lru_cache(maxsize=None)
def _make_sc_gather(Bc, D, NC, NS, chunk_off, CH=128):
    NW = NC * NS
    b_per_w = Bc // NW
    n_ch = b_per_w // CH
    mesh = plsc.VectorSubcoreMesh(core_axis_name="c", subcore_axis_name="s")

    @functools.partial(
        pl.kernel,
        mesh=mesh,
        out_type=[
            jax.ShapeDtypeStruct((Bc, D), jnp.float32),
            jax.ShapeDtypeStruct((Bc, D), jnp.float32),
        ],
        scratch_types=[
            pltpu.VMEM((b_per_w,), jnp.int32),
            pltpu.VMEM((b_per_w,), jnp.int32),
            pltpu.VMEM((b_per_w, D), jnp.float32),
            pltpu.VMEM((b_per_w, D), jnp.float32),
            pltpu.SemaphoreType.DMA,
            pltpu.SemaphoreType.DMA,
            pltpu.SemaphoreType.DMA,
        ],
    )
    def gather2(uidx_hbm, iidx_hbm, ut_hbm, it_hbm, out_u, out_i,
                idx_u, idx_i, rows_u, rows_i, sem_i, sem_g, sem_s):
        wid = lax.axis_index("s") * NC + lax.axis_index("c")
        base = wid * b_per_w
        ci = [pltpu.async_copy(h.at[pl.ds(chunk_off + base, b_per_w)], v, sem_i)
              for h, v in ((uidx_hbm, idx_u), (iidx_hbm, idx_i))]
        for c in ci:
            c.wait()
        gs = []
        for tbl, iv, rv in ((ut_hbm, idx_u, rows_u), (it_hbm, idx_i, rows_i)):
            gs.append([
                pltpu.async_copy(tbl.at[iv.at[pl.ds(j * CH, CH)]],
                                 rv.at[pl.ds(j * CH, CH)], sem_g)
                for j in range(n_ch)
            ])
        sts = []
        for (tbl_gs, rv, out) in ((gs[0], rows_u, out_u), (gs[1], rows_i, out_i)):
            for j, c in enumerate(tbl_gs):
                c.wait()
                sts.append(pltpu.async_copy(
                    rv.at[pl.ds(j * CH, CH)],
                    out.at[pl.ds(base + j * CH, CH)], sem_s))
        for s in sts:
            s.wait()

    return gather2


def _dense_body(ue_ref, ie_ref, wt_ref, b_ref, out_ref):
    wt = wt_ref[...].astype(jnp.bfloat16)
    dn = (((1,), (1,)), ((), ()))
    ut = lax.dot_general(wt, ue_ref[...].astype(jnp.bfloat16), dn,
                         preferred_element_type=jnp.float32)
    vt = lax.dot_general(wt, ie_ref[...].astype(jnp.bfloat16), dn,
                         preferred_element_type=jnp.float32)
    bb = b_ref[...]
    u = jnp.maximum(ut + bb, 0.0)
    v = jnp.maximum(vt + bb, 0.0)
    dots = jnp.sum(u * v, axis=0, keepdims=True)
    uu = jnp.sum(u * u, axis=0, keepdims=True)
    vv = jnp.sum(v * v, axis=0, keepdims=True)
    denom = jnp.sqrt(jnp.maximum(uu, 1e-16) * jnp.maximum(vv, 1e-16))
    out_ref[...] = (dots / denom)[None]


def kernel(user_indices, item_indices, user_table, item_table, W, b):
    B = user_indices.shape[0]
    D = user_table.shape[1]
    N = W.shape[1]
    NP = (N + 127) // 128 * 128
    NCHUNK = 2
    Bc = B // NCHUNK
    BM = 4096

    info = plsc.get_sparse_core_info()
    NC, NS = info.num_cores, info.num_subcores

    uidx = user_indices.astype(jnp.int32)
    iidx = item_indices.astype(jnp.int32)

    Wt = jnp.pad(W, ((0, 0), (0, NP - N))).T
    bp = jnp.pad(b, (0, NP - N)).reshape(NP, 1)

    parts = []
    for c in range(NCHUNK):
        ue, ie = _make_sc_gather(Bc, D, NC, NS, c * Bc)(
            uidx, iidx, user_table, item_table)
        parts.append(pl.pallas_call(
            _dense_body,
            grid=(Bc // BM,),
            in_specs=[
                pl.BlockSpec((BM, D), lambda i: (i, 0)),
                pl.BlockSpec((BM, D), lambda i: (i, 0)),
                pl.BlockSpec((NP, D), lambda i: (0, 0)),
                pl.BlockSpec((NP, 1), lambda i: (0, 0)),
            ],
            out_specs=pl.BlockSpec((1, 1, BM), lambda i: (i, 0, 0)),
            out_shape=jax.ShapeDtypeStruct((Bc // BM, 1, BM), jnp.float32),
        )(ue, ie, Wt, bp))
    return jnp.concatenate(parts, axis=0).reshape(B)

# --- scband reference (transcript-rebuilt; emitter-appended) ---
"""Pipeline reference for scband-shallow-embedding-model-32581621908032 (READ-ONLY COPY).

The authoritative reference and input builder live on the scoring server;
editing this copy changes nothing except your own understanding.
"""

import jax, jax.numpy as jnp
import numpy as np

NUM_USERS = 100000
NUM_ITEMS = 100000
EMB_IN = 128
EMB_OUT = 300
BATCH = 16384


def setup_inputs(seed: int = 0) -> dict:
    key = jax.random.key(seed)
    k1, k2, k3, k4, k5, k6 = jax.random.split(key, 6)
    user_indices = jax.random.randint(k1, (BATCH,), 0, NUM_USERS, dtype=jnp.int64 if jax.config.jax_enable_x64 else jnp.int32)
    item_indices = jax.random.randint(k2, (BATCH,), 0, NUM_ITEMS, dtype=jnp.int64 if jax.config.jax_enable_x64 else jnp.int32)
    user_table = jax.random.normal(k3, (NUM_USERS, EMB_IN), dtype=jnp.float32)
    item_table = jax.random.normal(k4, (NUM_ITEMS, EMB_IN), dtype=jnp.float32)
    bound = 1.0 / np.sqrt(EMB_IN)
    W = jax.random.uniform(k5, (EMB_IN, EMB_OUT), dtype=jnp.float32, minval=-bound, maxval=bound)
    b = jax.random.uniform(k6, (EMB_OUT,), dtype=jnp.float32, minval=-bound, maxval=bound)
    return {"user_indices": user_indices, "item_indices": item_indices, "user_table": user_table, "item_table": item_table, "W": W, "b": b}


def reference(user_indices, item_indices, user_table, item_table, W, b):
    # embedding lookups (gather)
    user_embeds = jnp.take(user_table, user_indices, axis=0)
    item_embeds = jnp.take(item_table, item_indices, axis=0)
    # shared MLP: Linear + ReLU
    user_embeds = jax.nn.relu(user_embeds @ W + b)
    item_embeds = jax.nn.relu(item_embeds @ W + b)
    # cosine similarity along dim=1 (torch eps=1e-8)
    eps = 1e-8
    un = jnp.maximum(jnp.linalg.norm(user_embeds, axis=1), eps)
    inorm = jnp.maximum(jnp.linalg.norm(item_embeds, axis=1), eps)
    scores = jnp.sum(user_embeds * item_embeds, axis=1) / (un * inorm)
    return scores

if __name__ == "__main__":
    import jax
    _d = setup_inputs()
    print(jax.jit(kernel)(*tuple(_d.values())))

</pallas_src>

<mosaic_0001>
#map = affine_map<(d0, d1) -> (0)>
#map1 = affine_map<(d0, d1) -> (0, 0)>
module attributes {stable_mosaic.version = 14 : i64} {
  func.func @gather2(%arg0: i32, %arg1: i32, %arg2: memref<16384xi32, #tpu.memory_space<hbm>>, %arg3: memref<16384xi32, #tpu.memory_space<hbm>>, %arg4: memref<100000x128xf32, #tpu.memory_space<hbm>>, %arg5: memref<100000x128xf32, #tpu.memory_space<hbm>>, %arg6: memref<8192x128xf32, #tpu.memory_space<hbm>>, %arg7: memref<8192x128xf32, #tpu.memory_space<hbm>>, %arg8: memref<256xi32, #tpu.memory_space<vmem>>, %arg9: memref<256xi32, #tpu.memory_space<vmem>>, %arg10: memref<256x128xf32, #tpu.memory_space<vmem>>, %arg11: memref<256x128xf32, #tpu.memory_space<vmem>>, %arg12: memref<!tpu.dma_semaphore, #tpu.memory_space<semaphore_mem>>, %arg13: memref<!tpu.dma_semaphore, #tpu.memory_space<semaphore_mem>>, %arg14: memref<!tpu.dma_semaphore, #tpu.memory_space<semaphore_mem>>) attributes {dimension_semantics = [#tpu.dimension_semantics<core_parallel>, #tpu.dimension_semantics<subcore_parallel>], iteration_bounds = array<i64: 2, 16>, scalar_prefetch = 0 : i64, scratch_operands = 7 : i64, tpu.core_type = #tpu.core_type<sc_vector_subcore>, window_params = [{transform_indices = #map}, {transform_indices = #map}, {transform_indices = #map1}, {transform_indices = #map1}, {transform_indices = #map1}, {transform_indices = #map1}]} {
    %mul3A = arith.constant 2 : i32
    %mul3A_0 = arith.muli %arg1, %mul3A : i32
    %add3A = arith.addi %mul3A_0, %arg0 : i32
    %mul3A_1 = arith.constant 256 : i32
    %mul3A_2 = arith.muli %add3A, %mul3A_1 : i32
    %add3A_3 = arith.constant 0 : i32
    %add3A_4 = arith.addi %add3A_3, %mul3A_2 : i32
    %dma_start3A = tpu.memref_slice %arg2[%add3A_4] : memref<16384xi32, #tpu.memory_space<hbm>> -> memref<256xi32, #tpu.memory_space<hbm>>
    %dma_start3A_5 = tpu.memref_slice %arg2[%add3A_4] : memref<16384xi32, #tpu.memory_space<hbm>> -> memref<256xi32, #tpu.memory_space<hbm>>
    tpu.enqueue_dma source(%dma_start3A_5 : memref<256xi32, #tpu.memory_space<hbm>>) target(%arg8 : memref<256xi32, #tpu.memory_space<vmem>>) target_semaphore(%arg12 : memref<!tpu.dma_semaphore, #tpu.memory_space<semaphore_mem>>)
    %add3A_6 = arith.constant 0 : i32
    %add3A_7 = arith.addi %add3A_6, %mul3A_2 : i32
    %dma_start3A_8 = tpu.memref_slice %arg3[%add3A_7] : memref<16384xi32, #tpu.memory_space<hbm>> -> memref<256xi32, #tpu.memory_space<hbm>>
    %dma_start3A_9 = tpu.memref_slice %arg3[%add3A_7] : memref<16384xi32, #tpu.memory_space<hbm>> -> memref<256xi32, #tpu.memory_space<hbm>>
    tpu.enqueue_dma source(%dma_start3A_9 : memref<256xi32, #tpu.memory_space<hbm>>) target(%arg9 : memref<256xi32, #tpu.memory_space<vmem>>) target_semaphore(%arg12 : memref<!tpu.dma_semaphore, #tpu.memory_space<semaphore_mem>>)
    %dma_wait3A = tpu.memref_slice %arg2[%add3A_4] : memref<16384xi32, #tpu.memory_space<hbm>> -> memref<256xi32, #tpu.memory_space<hbm>>
    %dma_wait3A_10 = tpu.memref_slice %arg2[%add3A_4] : memref<16384xi32, #tpu.memory_space<hbm>> -> memref<256xi32, #tpu.memory_space<hbm>>
    tpu.wait_dma2 semaphore(%arg12 : memref<!tpu.dma_semaphore, #tpu.memory_space<semaphore_mem>>) src(%dma_wait3A_10 : memref<256xi32, #tpu.memory_space<hbm>>) dst(%arg8 : memref<256xi32, #tpu.memory_space<vmem>>)
    %dma_wait3A_11 = tpu.memref_slice %arg3[%add3A_7] : memref<16384xi32, #tpu.memory_space<hbm>> -> memref<256xi32, #tpu.memory_space<hbm>>
    %dma_wait3A_12 = tpu.memref_slice %arg3[%add3A_7] : memref<16384xi32, #tpu.memory_space<hbm>> -> memref<256xi32, #tpu.memory_space<hbm>>
    tpu.wait_dma2 semaphore(%arg12 : memref<!tpu.dma_semaphore, #tpu.memory_space<semaphore_mem>>) src(%dma_wait3A_12 : memref<256xi32, #tpu.memory_space<hbm>>) dst(%arg9 : memref<256xi32, #tpu.memory_space<vmem>>)
    %dma_start3A_13 = arith.constant 0 : i32
    %dma_start3A_14 = arith.constant 0 : i32
    %dma_start3A_15 = tpu.memref_slice %arg10[%dma_start3A_13, %dma_start3A_14] : memref<256x128xf32, #tpu.memory_space<vmem>> -> memref<128x128xf32, #tpu.memory_space<vmem>>
    %dma_start3A_16 = arith.constant 0 : i32
    %dma_start3A_17 = tpu.memref_slice %arg8[%dma_start3A_16] : memref<256xi32, #tpu.memory_space<vmem>> -> memref<128xi32, #tpu.memory_space<vmem>>
    %dma_start3A_18 = arith.constant 0 : i32
    %dma_start3A_19 = arith.constant 0 : i32
    %dma_start3A_20 = tpu.memref_slice %arg4[%dma_start3A_18, %dma_start3A_19] : memref<100000x128xf32, #tpu.memory_space<hbm>> -> memref<100000x128xf32, #tpu.memory_space<hbm>>
    tpu.enqueue_indirect_dma source(%dma_start3A_20 : memref<100000x128xf32, #tpu.memory_space<hbm>>) target(%dma_start3A_15 : memref<128x128xf32, #tpu.memory_space<vmem>>) offsets(%dma_start3A_17 : memref<128xi32, #tpu.memory_space<vmem>>) semaphore(%arg13 : memref<!tpu.dma_semaphore, #tpu.memory_space<semaphore_mem>>)
    %dma_start3A_21 = arith.constant 128 : i32
    %dma_start3A_22 = arith.constant 0 : i32
    %dma_start3A_23 = tpu.memref_slice %arg10[%dma_start3A_21, %dma_start3A_22] : memref<256x128xf32, #tpu.memory_space<vmem>> -> memref<128x128xf32, #tpu.memory_space<vmem>>
    %dma_start3A_24 = arith.constant 128 : i32
    %dma_start3A_25 = tpu.memref_slice %arg8[%dma_start3A_24] : memref<256xi32, #tpu.memory_space<vmem>> -> memref<128xi32, #tpu.memory_space<vmem>>
    %dma_start3A_26 = arith.constant 0 : i32
    %dma_start3A_27 = arith.constant 0 : i32
    %dma_start3A_28 = tpu.memref_slice %arg4[%dma_start3A_26, %dma_start3A_27] : memref<100000x128xf32, #tpu.memory_space<hbm>> -> memref<100000x128xf32, #tpu.memory_space<hbm>>
    tpu.enqueue_indirect_dma source(%dma_start3A_28 : memref<100000x128xf32, #tpu.memory_space<hbm>>) target(%dma_start3A_23 : memref<128x128xf32, #tpu.memory_space<vmem>>) offsets(%dma_start3A_25 : memref<128xi32, #tpu.memory_space<vmem>>) semaphore(%arg13 : memref<!tpu.dma_semaphore, #tpu.memory_space<semaphore_mem>>)
    %dma_start3A_29 = arith.constant 0 : i32
    %dma_start3A_30 = arith.constant 0 : i32
    %dma_start3A_31 = tpu.memref_slice %arg11[%dma_start3A_29, %dma_start3A_30] : memref<256x128xf32, #tpu.memory_space<vmem>> -> memref<128x128xf32, #tpu.memory_space<vmem>>
    %dma_start3A_32 = arith.constant 0 : i32
    %dma_start3A_33 = tpu.memref_slice %arg9[%dma_start3A_32] : memref<256xi32, #tpu.memory_space<vmem>> -> memref<128xi32, #tpu.memory_space<vmem>>
    %dma_start3A_34 = arith.constant 0 : i32
    %dma_start3A_35 = arith.constant 0 : i32
    %dma_start3A_36 = tpu.memref_slice %arg5[%dma_start3A_34, %dma_start3A_35] : memref<100000x128xf32, #tpu.memory_space<hbm>> -> memref<100000x128xf32, #tpu.memory_space<hbm>>
    tpu.enqueue_indirect_dma source(%dma_start3A_36 : memref<100000x128xf32, #tpu.memory_space<hbm>>) target(%dma_start3A_31 : memref<128x128xf32, #tpu.memory_space<vmem>>) offsets(%dma_start3A_33 : memref<128xi32, #tpu.memory_space<vmem>>) semaphore(%arg13 : memref<!tpu.dma_semaphore, #tpu.memory_space<semaphore_mem>>)
    %dma_start3A_37 = arith.constant 128 : i32
    %dma_start3A_38 = arith.constant 0 : i32
    %dma_start3A_39 = tpu.memref_slice %arg11[%dma_start3A_37, %dma_start3A_38] : memref<256x128xf32, #tpu.memory_space<vmem>> -> memref<128x128xf32, #tpu.memory_space<vmem>>
    %dma_start3A_40 = arith.constant 128 : i32
    %dma_start3A_41 = tpu.memref_slice %arg9[%dma_start3A_40] : memref<256xi32, #tpu.memory_space<vmem>> -> memref<128xi32, #tpu.memory_space<vmem>>
    %dma_start3A_42 = arith.constant 0 : i32
    %dma_start3A_43 = arith.constant 0 : i32
    %dma_start3A_44 = tpu.memref_slice %arg5[%dma_start3A_42, %dma_start3A_43] : memref<100000x128xf32, #tpu.memory_space<hbm>> -> memref<100000x128xf32, #tpu.memory_space<hbm>>
    tpu.enqueue_indirect_dma source(%dma_start3A_44 : memref<100000x128xf32, #tpu.memory_space<hbm>>) target(%dma_start3A_39 : memref<128x128xf32, #tpu.memory_space<vmem>>) offsets(%dma_start3A_41 : memref<128xi32, #tpu.memory_space<vmem>>) semaphore(%arg13 : memref<!tpu.dma_semaphore, #tpu.memory_space<semaphore_mem>>)
    %dma_wait3A_45 = arith.constant 0 : i32
    %dma_wait3A_46 = arith.constant 0 : i32
    %dma_wait3A_47 = tpu.memref_slice %arg10[%dma_wait3A_45, %dma_wait3A_46] : memref<256x128xf32, #tpu.memory_space<vmem>> -> memref<128x128xf32, #tpu.memory_space<vmem>>
    %dma_wait3A_48 = arith.constant 0 : i32
    %dma_wait3A_49 = tpu.memref_slice %arg8[%dma_wait3A_48] : memref<256xi32, #tpu.memory_space<vmem>> -> memref<128xi32, #tpu.memory_space<vmem>>
    %dma_wait3A_50 = arith.constant 0 : i32
    %dma_wait3A_51 = arith.constant 0 : i32
    %dma_wait3A_52 = tpu.memref_slice %arg4[%dma_wait3A_50, %dma_wait3A_51] : memref<100000x128xf32, #tpu.memory_space<hbm>> -> memref<100000x128xf32, #tpu.memory_space<hbm>>
    tpu.wait_indirect_dma semaphore(%arg13 : memref<!tpu.dma_semaphore, #tpu.memory_space<semaphore_mem>>) src(%dma_wait3A_52 : memref<100000x128xf32, #tpu.memory_space<hbm>>) dst(%dma_wait3A_47 : memref<128x128xf32, #tpu.memory_space<vmem>>)
    %add3A_53 = arith.constant 0 : i32
    %add3A_54 = arith.addi %mul3A_2, %add3A_53 : i32
    %dma_start3A_55 = arith.constant 0 : i32
    %dma_start3A_56 = arith.constant 0 : i32
    %dma_start3A_57 = tpu.memref_slice %arg10[%dma_start3A_55, %dma_start3A_56] : memref<256x128xf32, #tpu.memory_space<vmem>> -> memref<128x128xf32, #tpu.memory_space<vmem>>
    %dma_start3A_58 = arith.constant 0 : i32
    %dma_start3A_59 = tpu.memref_slice %arg6[%add3A_54, %dma_start3A_58] : memref<8192x128xf32, #tpu.memory_space<hbm>> -> memref<128x128xf32, #tpu.memory_space<hbm>>
    %dma_start3A_60 = arith.constant 0 : i32
    %dma_start3A_61 = tpu.memref_slice %arg6[%add3A_54, %dma_start3A_60] : memref<8192x128xf32, #tpu.memory_space<hbm>> -> memref<128x128xf32, #tpu.memory_space<hbm>>
    %dma_start3A_62 = arith.constant 0 : i32
    %dma_start3A_63 = arith.constant 0 : i32
    %dma_start3A_64 = tpu.memref_slice %arg10[%dma_start3A_62, %dma_start3A_63] : memref<256x128xf32, #tpu.memory_space<vmem>> -> memref<128x128xf32, #tpu.memory_space<vmem>>
    tpu.enqueue_dma source(%dma_start3A_64 : memref<128x128xf32, #tpu.memory_space<vmem>>) target(%dma_start3A_61 : memref<128x128xf32, #tpu.memory_space<hbm>>) target_semaphore(%arg14 : memref<!tpu.dma_semaphore, #tpu.memory_space<semaphore_mem>>)
    %dma_wait3A_65 = arith.constant 128 : i32
    %dma_wait3A_66 = arith.constant 0 : i32
    %dma_wait3A_67 = tpu.memref_slice %arg10[%dma_wait3A_65, %dma_wait3A_66] : memref<256x128xf32, #tpu.memory_space<vmem>> -> memref<128x128xf32, #tpu.memory_space<vmem>>
    %dma_wait3A_68 = arith.constant 128 : i32
    %dma_wait3A_69 = tpu.memref_slice %arg8[%dma_wait3A_68] : memref<256xi32, #tpu.memory_space<vmem>> -> memref<128xi32, #tpu.memory_space<vmem>>
    %dma_wait3A_70 = arith.constant 0 : i32
    %dma_wait3A_71 = arith.constant 0 : i32
    %dma_wait3A_72 = tpu.memref_slice %arg4[%dma_wait3A_70, %dma_wait3A_71] : memref<100000x128xf32, #tpu.memory_space<hbm>> -> memref<100000x128xf32, #tpu.memory_space<hbm>>
    tpu.wait_indirect_dma semaphore(%arg13 : memref<!tpu.dma_semaphore, #tpu.memory_space<semaphore_mem>>) src(%dma_wait3A_72 : memref<100000x128xf32, #tpu.memory_space<hbm>>) dst(%dma_wait3A_67 : memref<128x128xf32, #tpu.memory_space<vmem>>)
    %add3A_73 = arith.constant 128 : i32
    %add3A_74 = arith.addi %mul3A_2, %add3A_73 : i32
    %dma_start3A_75 = arith.constant 128 : i32
    %dma_start3A_76 = arith.constant 0 : i32
    %dma_start3A_77 = tpu.memref_slice %arg10[%dma_start3A_75, %dma_start3A_76] : memref<256x128xf32, #tpu.memory_space<vmem>> -> memref<128x128xf32, #tpu.memory_space<vmem>>
    %dma_start3A_78 = arith.constant 0 : i32
    %dma_start3A_79 = tpu.memref_slice %arg6[%add3A_74, %dma_start3A_78] : memref<8192x128xf32, #tpu.memory_space<hbm>> -> memref<128x128xf32, #tpu.memory_space<hbm>>
    %dma_start3A_80 = arith.constant 0 : i32
    %dma_start3A_81 = tpu.memref_slice %arg6[%add3A_74, %dma_start3A_80] : memref<8192x128xf32, #tpu.memory_space<hbm>> -> memref<128x128xf32, #tpu.memory_space<hbm>>
    %dma_start3A_82 = arith.constant 128 : i32
    %dma_start3A_83 = arith.constant 0 : i32
    %dma_start3A_84 = tpu.memref_slice %arg10[%dma_start3A_82, %dma_start3A_83] : memref<256x128xf32, #tpu.memory_space<vmem>> -> memref<128x128xf32, #tpu.memory_space<vmem>>
    tpu.enqueue_dma source(%dma_start3A_84 : memref<128x128xf32, #tpu.memory_space<vmem>>) target(%dma_start3A_81 : memref<128x128xf32, #tpu.memory_space<hbm>>) target_semaphore(%arg14 : memref<!tpu.dma_semaphore, #tpu.memory_space<semaphore_mem>>)
    %dma_wait3A_85 = arith.constant 0 : i32
    %dma_wait3A_86 = arith.constant 0 : i32
    %dma_wait3A_87 = tpu.memref_slice %arg11[%dma_wait3A_85, %dma_wait3A_86] : memref<256x128xf32, #tpu.memory_space<vmem>> -> memref<128x128xf32, #tpu.memory_space<vmem>>
    %dma_wait3A_88 = arith.constant 0 : i32
    %dma_wait3A_89 = tpu.memref_slice %arg9[%dma_wait3A_88] : memref<256xi32, #tpu.memory_space<vmem>> -> memref<128xi32, #tpu.memory_space<vmem>>
    %dma_wait3A_90 = arith.constant 0 : i32
    %dma_wait3A_91 = arith.constant 0 : i32
    %dma_wait3A_92 = tpu.memref_slice %arg5[%dma_wait3A_90, %dma_wait3A_91] : memref<100000x128xf32, #tpu.memory_space<hbm>> -> memref<100000x128xf32, #tpu.memory_space<hbm>>
    tpu.wait_indirect_dma semaphore(%arg13 : memref<!tpu.dma_semaphore, #tpu.memory_space<semaphore_mem>>) src(%dma_wait3A_92 : memref<100000x128xf32, #tpu.memory_space<hbm>>) dst(%dma_wait3A_87 : memref<128x128xf32, #tpu.memory_space<vmem>>)
    %add3A_93 = arith.constant 0 : i32
    %add3A_94 = arith.addi %mul3A_2, %add3A_93 : i32
    %dma_start3A_95 = arith.constant 0 : i32
    %dma_start3A_96 = arith.constant 0 : i32
    %dma_start3A_97 = tpu.memref_slice %arg11[%dma_start3A_95, %dma_start3A_96] : memref<256x128xf32, #tpu.memory_space<vmem>> -> memref<128x128xf32, #tpu.memory_space<vmem>>
    %dma_start3A_98 = arith.constant 0 : i32
    %dma_start3A_99 = tpu.memref_slice %arg7[%add3A_94, %dma_start3A_98] : memref<8192x128xf32, #tpu.memory_space<hbm>> -> memref<128x128xf32, #tpu.memory_space<hbm>>
    %dma_start3A_100 = arith.constant 0 : i32
    %dma_start3A_101 = tpu.memref_slice %arg7[%add3A_94, %dma_start3A_100] : memref<8192x128xf32, #tpu.memory_space<hbm>> -> memref<128x128xf32, #tpu.memory_space<hbm>>
    %dma_start3A_102 = arith.constant 0 : i32
    %dma_start3A_103 = arith.constant 0 : i32
    %dma_start3A_104 = tpu.memref_slice %arg11[%dma_start3A_102, %dma_start3A_103] : memref<256x128xf32, #tpu.memory_space<vmem>> -> memref<128x128xf32, #tpu.memory_space<vmem>>
    tpu.enqueue_dma source(%dma_start3A_104 : memref<128x128xf32, #tpu.memory_space<vmem>>) target(%dma_start3A_101 : memref<128x128xf32, #tpu.memory_space<hbm>>) target_semaphore(%arg14 : memref<!tpu.dma_semaphore, #tpu.memory_space<semaphore_mem>>)
    %dma_wait3A_105 = arith.constant 128 : i32
    %dma_wait3A_106 = arith.constant 0 : i32
    %dma_wait3A_107 = tpu.memref_slice %arg11[%dma_wait3A_105, %dma_wait3A_106] : memref<256x128xf32, #tpu.memory_space<vmem>> -> memref<128x128xf32, #tpu.memory_space<vmem>>
    %dma_wait3A_108 = arith.constant 128 : i32
    %dma_wait3A_109 = tpu.memref_slice %arg9[%dma_wait3A_108] : memref<256xi32, #tpu.memory_space<vmem>> -> memref<128xi32, #tpu.memory_space<vmem>>
    %dma_wait3A_110 = arith.constant 0 : i32
    %dma_wait3A_111 = arith.constant 0 : i32
    %dma_wait3A_112 = tpu.memref_slice %arg5[%dma_wait3A_110, %dma_wait3A_111] : memref<100000x128xf32, #tpu.memory_space<hbm>> -> memref<100000x128xf32, #tpu.memory_space<hbm>>
    tpu.wait_indirect_dma semaphore(%arg13 : memref<!tpu.dma_semaphore, #tpu.memory_space<semaphore_mem>>) src(%dma_wait3A_112 : memref<100000x128xf32, #tpu.memory_space<hbm>>) dst(%dma_wait3A_107 : memref<128x128xf32, #tpu.memory_space<vmem>>)
    %add3A_113 = arith.constant 128 : i32
    %add3A_114 = arith.addi %mul3A_2, %add3A_113 : i32
    %dma_start3A_115 = arith.constant 128 : i32
    %dma_start3A_116 = arith.constant 0 : i32
    %dma_start3A_117 = tpu.memref_slice %arg11[%dma_start3A_115, %dma_start3A_116] : memref<256x128xf32, #tpu.memory_space<vmem>> -> memref<128x128xf32, #tpu.memory_space<vmem>>
    %dma_start3A_118 = arith.constant 0 : i32
    %dma_start3A_119 = tpu.memref_slice %arg7[%add3A_114, %dma_start3A_118] : memref<8192x128xf32, #tpu.memory_space<hbm>> -> memref<128x128xf32, #tpu.memory_space<hbm>>
    %dma_start3A_120 = arith.constant 0 : i32
    %dma_start3A_121 = tpu.memref_slice %arg7[%add3A_114, %dma_start3A_120] : memref<8192x128xf32, #tpu.memory_space<hbm>> -> memref<128x128xf32, #tpu.memory_space<hbm>>
    %dma_start3A_122 = arith.constant 128 : i32
    %dma_start3A_123 = arith.constant 0 : i32
    %dma_start3A_124 = tpu.memref_slice %arg11[%dma_start3A_122, %dma_start3A_123] : memref<256x128xf32, #tpu.memory_space<vmem>> -> memref<128x128xf32, #tpu.memory_space<vmem>>
    tpu.enqueue_dma source(%dma_start3A_124 : memref<128x128xf32, #tpu.memory_space<vmem>>) target(%dma_start3A_121 : memref<128x128xf32, #tpu.memory_space<hbm>>) target_semaphore(%arg14 : memref<!tpu.dma_semaphore, #tpu.memory_space<semaphore_mem>>)
    %dma_wait3A_125 = arith.constant 0 : i32
    %dma_wait3A_126 = arith.constant 0 : i32
    %dma_wait3A_127 = tpu.memref_slice %arg10[%dma_wait3A_125, %dma_wait3A_126] : memref<256x128xf32, #tpu.memory_space<vmem>> -> memref<128x128xf32, #tpu.memory_space<vmem>>
    %dma_wait3A_128 = arith.constant 0 : i32
    %dma_wait3A_129 = tpu.memref_slice %arg6[%add3A_54, %dma_wait3A_128] : memref<8192x128xf32, #tpu.memory_space<hbm>> -> memref<128x128xf32, #tpu.memory_space<hbm>>
    %dma_wait3A_130 = arith.constant 0 : i32
    %dma_wait3A_131 = tpu.memref_slice %arg6[%add3A_54, %dma_wait3A_130] : memref<8192x128xf32, #tpu.memory_space<hbm>> -> memref<128x128xf32, #tpu.memory_space<hbm>>
    %dma_wait3A_132 = arith.constant 0 : i32
    %dma_wait3A_133 = arith.constant 0 : i32
    %dma_wait3A_134 = tpu.memref_slice %arg10[%dma_wait3A_132, %dma_wait3A_133] : memref<256x128xf32, #tpu.memory_space<vmem>> -> memref<128x128xf32, #tpu.memory_space<vmem>>
    tpu.wait_dma2 semaphore(%arg14 : memref<!tpu.dma_semaphore, #tpu.memory_space<semaphore_mem>>) src(%dma_wait3A_134 : memref<128x128xf32, #tpu.memory_space<vmem>>) dst(%dma_wait3A_131 : memref<128x128xf32, #tpu.memory_space<hbm>>)
    %dma_wait3A_135 = arith.constant 128 : i32
    %dma_wait3A_136 = arith.constant 0 : i32
    %dma_wait3A_137 = tpu.memref_slice %arg10[%dma_wait3A_135, %dma_wait3A_136] : memref<256x128xf32, #tpu.memory_space<vmem>> -> memref<128x128xf32, #tpu.memory_space<vmem>>
    %dma_wait3A_138 = arith.constant 0 : i32
    %dma_wait3A_139 = tpu.memref_slice %arg6[%add3A_74, %dma_wait3A_138] : memref<8192x128xf32, #tpu.memory_space<hbm>> -> memref<128x128xf32, #tpu.memory_space<hbm>>
    %dma_wait3A_140 = arith.constant 0 : i32
    %dma_wait3A_141 = tpu.memref_slice %arg6[%add3A_74, %dma_wait3A_140] : memref<8192x128xf32, #tpu.memory_space<hbm>> -> memref<128x128xf32, #tpu.memory_space<hbm>>
    %dma_wait3A_142 = arith.constant 128 : i32
    %dma_wait3A_143 = arith.constant 0 : i32
    %dma_wait3A_144 = tpu.memref_slice %arg10[%dma_wait3A_142, %dma_wait3A_143] : memref<256x128xf32, #tpu.memory_space<vmem>> -> memref<128x128xf32, #tpu.memory_space<vmem>>
    tpu.wait_dma2 semaphore(%arg14 : memref<!tpu.dma_semaphore, #tpu.memory_space<semaphore_mem>>) src(%dma_wait3A_144 : memref<128x128xf32, #tpu.memory_space<vmem>>) dst(%dma_wait3A_141 : memref<128x128xf32, #tpu.memory_space<hbm>>)
    %dma_wait3A_145 = arith.constant 0 : i32
    %dma_wait3A_146 = arith.constant 0 : i32
    %dma_wait3A_147 = tpu.memref_slice %arg11[%dma_wait3A_145, %dma_wait3A_146] : memref<256x128xf32, #tpu.memory_space<vmem>> -> memref<128x128xf32, #tpu.memory_space<vmem>>
    %dma_wait3A_148 = arith.constant 0 : i32
    %dma_wait3A_149 = tpu.memref_slice %arg7[%add3A_94, %dma_wait3A_148] : memref<8192x128xf32, #tpu.memory_space<hbm>> -> memref<128x128xf32, #tpu.memory_space<hbm>>
    %dma_wait3A_150 = arith.constant 0 : i32
    %dma_wait3A_151 = tpu.memref_slice %arg7[%add3A_94, %dma_wait3A_150] : memref<8192x128xf32, #tpu.memory_space<hbm>> -> memref<128x128xf32, #tpu.memory_space<hbm>>
    %dma_wait3A_152 = arith.constant 0 : i32
    %dma_wait3A_153 = arith.constant 0 : i32
    %dma_wait3A_154 = tpu.memref_slice %arg11[%dma_wait3A_152, %dma_wait3A_153] : memref<256x128xf32, #tpu.memory_space<vmem>> -> memref<128x128xf32, #tpu.memory_space<vmem>>
    tpu.wait_dma2 semaphore(%arg14 : memref<!tpu.dma_semaphore, #tpu.memory_space<semaphore_mem>>) src(%dma_wait3A_154 : memref<128x128xf32, #tpu.memory_space<vmem>>) dst(%dma_wait3A_151 : memref<128x128xf32, #tpu.memory_space<hbm>>)
    %dma_wait3A_155 = arith.constant 128 : i32
    %dma_wait3A_156 = arith.constant 0 : i32
    %dma_wait3A_157 = tpu.memref_slice %arg11[%dma_wait3A_155, %dma_wait3A_156] : memref<256x128xf32, #tpu.memory_space<vmem>> -> memref<128x128xf32, #tpu.memory_space<vmem>>
    %dma_wait3A_158 = arith.constant 0 : i32
    %dma_wait3A_159 = tpu.memref_slice %arg7[%add3A_114, %dma_wait3A_158] : memref<8192x128xf32, #tpu.memory_space<hbm>> -> memref<128x128xf32, #tpu.memory_space<hbm>>
    %dma_wait3A_160 = arith.constant 0 : i32
    %dma_wait3A_161 = tpu.memref_slice %arg7[%add3A_114, %dma_wait3A_160] : memref<8192x128xf32, #tpu.memory_space<hbm>> -> memref<128x128xf32, #tpu.memory_space<hbm>>
    %dma_wait3A_162 = arith.constant 128 : i32
    %dma_wait3A_163 = arith.constant 0 : i32
    %dma_wait3A_164 = tpu.memref_slice %arg11[%dma_wait3A_162, %dma_wait3A_163] : memref<256x128xf32, #tpu.memory_space<vmem>> -> memref<128x128xf32, #tpu.memory_space<vmem>>
    tpu.wait_dma2 semaphore(%arg14 : memref<!tpu.dma_semaphore, #tpu.memory_space<semaphore_mem>>) src(%dma_wait3A_164 : memref<128x128xf32, #tpu.memory_space<vmem>>) dst(%dma_wait3A_161 : memref<128x128xf32, #tpu.memory_space<hbm>>)
    return
  }
}

#map = affine_map<(d0, d1) -> (0)>
#map1 = affine_map<(d0, d1) -> (0, 0)>
module attributes {stable_mosaic.version = 14 : i64} {
  func.func @gather2(%arg0: i32, %arg1: i32, %arg2: memref<16384xi32, #tpu.memory_space<hbm>>, %arg3: memref<16384xi32, #tpu.memory_space<hbm>>, %arg4: memref<100000x128xf32, #tpu.memory_space<hbm>>, %arg5: memref<100000x128xf32, #tpu.memory_space<hbm>>, %arg6: memref<8192x128xf32, #tpu.memory_space<hbm>>, %arg7: memref<8192x128xf32, #tpu.memory_space<hbm>>, %arg8: memref<256xi32, #tpu.memory_space<vmem>>, %arg9: memref<256xi32, #tpu.memory_space<vmem>>, %arg10: memref<256x128xf32, #tpu.memory_space<vmem>>, %arg11: memref<256x128xf32, #tpu.memory_space<vmem>>, %arg12: memref<!tpu.dma_semaphore, #tpu.memory_space<semaphore_mem>>, %arg13: memref<!tpu.dma_semaphore, #tpu.memory_space<semaphore_mem>>, %arg14: memref<!tpu.dma_semaphore, #tpu.memory_space<semaphore_mem>>) attributes {dimension_semantics = [#tpu.dimension_semantics<core_parallel>, #tpu.dimension_semantics<subcore_parallel>], iteration_bounds = array<i64: 2, 16>, scalar_prefetch = 0 : i64, scratch_operands = 7 : i64, tpu.core_type = #tpu.core_type<sc_vector_subcore>, window_params = [{transform_indices = #map}, {transform_indices = #map}, {transform_indices = #map1}, {transform_indices = #map1}, {transform_indices = #map1}, {transform_indices = #map1}]} {
    %mul3A = arith.constant 2 : i32
    %mul3A_0 = arith.muli %arg1, %mul3A : i32
    %add3A = arith.addi %mul3A_0, %arg0 : i32
    %mul3A_1 = arith.constant 256 : i32
    %mul3A_2 = arith.muli %add3A, %mul3A_1 : i32
    %add3A_3 = arith.constant 8192 : i32
    %add3A_4 = arith.addi %add3A_3, %mul3A_2 : i32
    %dma_start3A = tpu.memref_slice %arg2[%add3A_4] : memref<16384xi32, #tpu.memory_space<hbm>> -> memref<256xi32, #tpu.memory_space<hbm>>
    %dma_start3A_5 = tpu.memref_slice %arg2[%add3A_4] : memref<16384xi32, #tpu.memory_space<hbm>> -> memref<256xi32, #tpu.memory_space<hbm>>
    tpu.enqueue_dma source(%dma_start3A_5 : memref<256xi32, #tpu.memory_space<hbm>>) target(%arg8 : memref<256xi32, #tpu.memory_space<vmem>>) target_semaphore(%arg12 : memref<!tpu.dma_semaphore, #tpu.memory_space<semaphore_mem>>)
    %add3A_6 = arith.constant 8192 : i32
    %add3A_7 = arith.addi %add3A_6, %mul3A_2 : i32
    %dma_start3A_8 = tpu.memref_slice %arg3[%add3A_7] : memref<16384xi32, #tpu.memory_space<hbm>> -> memref<256xi32, #tpu.memory_space<hbm>>
    %dma_start3A_9 = tpu.memref_slice %arg3[%add3A_7] : memref<16384xi32, #tpu.memory_space<hbm>> -> memref<256xi32, #tpu.memory_space<hbm>>
    tpu.enqueue_dma source(%dma_start3A_9 : memref<256xi32, #tpu.memory_space<hbm>>) target(%arg9 : memref<256xi32, #tpu.memory_space<vmem>>) target_semaphore(%arg12 : memref<!tpu.dma_semaphore, #tpu.memory_space<semaphore_mem>>)
    %dma_wait3A = tpu.memref_slice %arg2[%add3A_4] : memref<16384xi32, #tpu.memory_space<hbm>> -> memref<256xi32, #tpu.memory_space<hbm>>
    %dma_wait3A_10 = tpu.memref_slice %arg2[%add3A_4] : memref<16384xi32, #tpu.memory_space<hbm>> -> memref<256xi32, #tpu.memory_space<hbm>>
    tpu.wait_dma2 semaphore(%arg12 : memref<!tpu.dma_semaphore, #tpu.memory_space<semaphore_mem>>) src(%dma_wait3A_10 : memref<256xi32, #tpu.memory_space<hbm>>) dst(%arg8 : memref<256xi32, #tpu.memory_space<vmem>>)
    %dma_wait3A_11 = tpu.memref_slice %arg3[%add3A_7] : memref<16384xi32, #tpu.memory_space<hbm>> -> memref<256xi32, #tpu.memory_space<hbm>>
    %dma_wait3A_12 = tpu.memref_slice %arg3[%add3A_7] : memref<16384xi32, #tpu.memory_space<hbm>> -> memref<256xi32, #tpu.memory_space<hbm>>
    tpu.wait_dma2 semaphore(%arg12 : memref<!tpu.dma_semaphore, #tpu.memory_space<semaphore_mem>>) src(%dma_wait3A_12 : memref<256xi32, #tpu.memory_space<hbm>>) dst(%arg9 : memref<256xi32, #tpu.memory_space<vmem>>)
    %dma_start3A_13 = arith.constant 0 : i32
    %dma_start3A_14 = arith.constant 0 : i32
    %dma_start3A_15 = tpu.memref_slice %arg10[%dma_start3A_13, %dma_start3A_14] : memref<256x128xf32, #tpu.memory_space<vmem>> -> memref<128x128xf32, #tpu.memory_space<vmem>>
    %dma_start3A_16 = arith.constant 0 : i32
    %dma_start3A_17 = tpu.memref_slice %arg8[%dma_start3A_16] : memref<256xi32, #tpu.memory_space<vmem>> -> memref<128xi32, #tpu.memory_space<vmem>>
    %dma_start3A_18 = arith.constant 0 : i32
    %dma_start3A_19 = arith.constant 0 : i32
    %dma_start3A_20 = tpu.memref_slice %arg4[%dma_start3A_18, %dma_start3A_19] : memref<100000x128xf32, #tpu.memory_space<hbm>> -> memref<100000x128xf32, #tpu.memory_space<hbm>>
    tpu.enqueue_indirect_dma source(%dma_start3A_20 : memref<100000x128xf32, #tpu.memory_space<hbm>>) target(%dma_start3A_15 : memref<128x128xf32, #tpu.memory_space<vmem>>) offsets(%dma_start3A_17 : memref<128xi32, #tpu.memory_space<vmem>>) semaphore(%arg13 : memref<!tpu.dma_semaphore, #tpu.memory_space<semaphore_mem>>)
    %dma_start3A_21 = arith.constant 128 : i32
    %dma_start3A_22 = arith.constant 0 : i32
    %dma_start3A_23 = tpu.memref_slice %arg10[%dma_start3A_21, %dma_start3A_22] : memref<256x128xf32, #tpu.memory_space<vmem>> -> memref<128x128xf32, #tpu.memory_space<vmem>>
    %dma_start3A_24 = arith.constant 128 : i32
    %dma_start3A_25 = tpu.memref_slice %arg8[%dma_start3A_24] : memref<256xi32, #tpu.memory_space<vmem>> -> memref<128xi32, #tpu.memory_space<vmem>>
    %dma_start3A_26 = arith.constant 0 : i32
    %dma_start3A_27 = arith.constant 0 : i32
    %dma_start3A_28 = tpu.memref_slice %arg4[%dma_start3A_26, %dma_start3A_27] : memref<100000x128xf32, #tpu.memory_space<hbm>> -> memref<100000x128xf32, #tpu.memory_space<hbm>>
    tpu.enqueue_indirect_dma source(%dma_start3A_28 : memref<100000x128xf32, #tpu.memory_space<hbm>>) target(%dma_start3A_23 : memref<128x128xf32, #tpu.memory_space<vmem>>) offsets(%dma_start3A_25 : memref<128xi32, #tpu.memory_space<vmem>>) semaphore(%arg13 : memref<!tpu.dma_semaphore, #tpu.memory_space<semaphore_mem>>)
    %dma_start3A_29 = arith.constant 0 : i32
    %dma_start3A_30 = arith.constant 0 : i32
    %dma_start3A_31 = tpu.memref_slice %arg11[%dma_start3A_29, %dma_start3A_30] : memref<256x128xf32, #tpu.memory_space<vmem>> -> memref<128x128xf32, #tpu.memory_space<vmem>>
    %dma_start3A_32 = arith.constant 0 : i32
    %dma_start3A_33 = tpu.memref_slice %arg9[%dma_start3A_32] : memref<256xi32, #tpu.memory_space<vmem>> -> memref<128xi32, #tpu.memory_space<vmem>>
    %dma_start3A_34 = arith.constant 0 : i32
    %dma_start3A_35 = arith.constant 0 : i32
    %dma_start3A_36 = tpu.memref_slice %arg5[%dma_start3A_34, %dma_start3A_35] : memref<100000x128xf32, #tpu.memory_space<hbm>> -> memref<100000x128xf32, #tpu.memory_space<hbm>>
    tpu.enqueue_indirect_dma source(%dma_start3A_36 : memref<100000x128xf32, #tpu.memory_space<hbm>>) target(%dma_start3A_31 : memref<128x128xf32, #tpu.memory_space<vmem>>) offsets(%dma_start3A_33 : memref<128xi32, #tpu.memory_space<vmem>>) semaphore(%arg13 : memref<!tpu.dma_semaphore, #tpu.memory_space<semaphore_mem>>)
    %dma_start3A_37 = arith.constant 128 : i32
    %dma_start3A_38 = arith.constant 0 : i32
    %dma_start3A_39 = tpu.memref_slice %arg11[%dma_start3A_37, %dma_start3A_38] : memref<256x128xf32, #tpu.memory_space<vmem>> -> memref<128x128xf32, #tpu.memory_space<vmem>>
    %dma_start3A_40 = arith.constant 128 : i32
    %dma_start3A_41 = tpu.memref_slice %arg9[%dma_start3A_40] : memref<256xi32, #tpu.memory_space<vmem>> -> memref<128xi32, #tpu.memory_space<vmem>>
    %dma_start3A_42 = arith.constant 0 : i32
    %dma_start3A_43 = arith.constant 0 : i32
    %dma_start3A_44 = tpu.memref_slice %arg5[%dma_start3A_42, %dma_start3A_43] : memref<100000x128xf32, #tpu.memory_space<hbm>> -> memref<100000x128xf32, #tpu.memory_space<hbm>>
    tpu.enqueue_indirect_dma source(%dma_start3A_44 : memref<100000x128xf32, #tpu.memory_space<hbm>>) target(%dma_start3A_39 : memref<128x128xf32, #tpu.memory_space<vmem>>) offsets(%dma_start3A_41 : memref<128xi32, #tpu.memory_space<vmem>>) semaphore(%arg13 : memref<!tpu.dma_semaphore, #tpu.memory_space<semaphore_mem>>)
    %dma_wait3A_45 = arith.constant 0 : i32
    %dma_wait3A_46 = arith.constant 0 : i32
    %dma_wait3A_47 = tpu.memref_slice %arg10[%dma_wait3A_45, %dma_wait3A_46] : memref<256x128xf32, #tpu.memory_space<vmem>> -> memref<128x128xf32, #tpu.memory_space<vmem>>
    %dma_wait3A_48 = arith.constant 0 : i32
    %dma_wait3A_49 = tpu.memref_slice %arg8[%dma_wait3A_48] : memref<256xi32, #tpu.memory_space<vmem>> -> memref<128xi32, #tpu.memory_space<vmem>>
    %dma_wait3A_50 = arith.constant 0 : i32
    %dma_wait3A_51 = arith.constant 0 : i32
    %dma_wait3A_52 = tpu.memref_slice %arg4[%dma_wait3A_50, %dma_wait3A_51] : memref<100000x128xf32, #tpu.memory_space<hbm>> -> memref<100000x128xf32, #tpu.memory_space<hbm>>
    tpu.wait_indirect_dma semaphore(%arg13 : memref<!tpu.dma_semaphore, #tpu.memory_space<semaphore_mem>>) src(%dma_wait3A_52 : memref<100000x128xf32, #tpu.memory_space<hbm>>) dst(%dma_wait3A_47 : memref<128x128xf32, #tpu.memory_space<vmem>>)
    %add3A_53 = arith.constant 0 : i32
    %add3A_54 = arith.addi %mul3A_2, %add3A_53 : i32
    %dma_start3A_55 = arith.constant 0 : i32
    %dma_start3A_56 = arith.constant 0 : i32
    %dma_start3A_57 = tpu.memref_slice %arg10[%dma_start3A_55, %dma_start3A_56] : memref<256x128xf32, #tpu.memory_space<vmem>> -> memref<128x128xf32, #tpu.memory_space<vmem>>
    %dma_start3A_58 = arith.constant 0 : i32
    %dma_start3A_59 = tpu.memref_slice %arg6[%add3A_54, %dma_start3A_58] : memref<8192x128xf32, #tpu.memory_space<hbm>> -> memref<128x128xf32, #tpu.memory_space<hbm>>
    %dma_start3A_60 = arith.constant 0 : i32
    %dma_start3A_61 = tpu.memref_slice %arg6[%add3A_54, %dma_start3A_60] : memref<8192x128xf32, #tpu.memory_space<hbm>> -> memref<128x128xf32, #tpu.memory_space<hbm>>
    %dma_start3A_62 = arith.constant 0 : i32
    %dma_start3A_63 = arith.constant 0 : i32
    %dma_start3A_64 = tpu.memref_slice %arg10[%dma_start3A_62, %dma_start3A_63] : memref<256x128xf32, #tpu.memory_space<vmem>> -> memref<128x128xf32, #tpu.memory_space<vmem>>
    tpu.enqueue_dma source(%dma_start3A_64 : memref<128x128xf32, #tpu.memory_space<vmem>>) target(%dma_start3A_61 : memref<128x128xf32, #tpu.memory_space<hbm>>) target_semaphore(%arg14 : memref<!tpu.dma_semaphore, #tpu.memory_space<semaphore_mem>>)
    %dma_wait3A_65 = arith.constant 128 : i32
    %dma_wait3A_66 = arith.constant 0 : i32
    %dma_wait3A_67 = tpu.memref_slice %arg10[%dma_wait3A_65, %dma_wait3A_66] : memref<256x128xf32, #tpu.memory_space<vmem>> -> memref<128x128xf32, #tpu.memory_space<vmem>>
    %dma_wait3A_68 = arith.constant 128 : i32
    %dma_wait3A_69 = tpu.memref_slice %arg8[%dma_wait3A_68] : memref<256xi32, #tpu.memory_space<vmem>> -> memref<128xi32, #tpu.memory_space<vmem>>
    %dma_wait3A_70 = arith.constant 0 : i32
    %dma_wait3A_71 = arith.constant 0 : i32
    %dma_wait3A_72 = tpu.memref_slice %arg4[%dma_wait3A_70, %dma_wait3A_71] : memref<100000x128xf32, #tpu.memory_space<hbm>> -> memref<100000x128xf32, #tpu.memory_space<hbm>>
    tpu.wait_indirect_dma semaphore(%arg13 : memref<!tpu.dma_semaphore, #tpu.memory_space<semaphore_mem>>) src(%dma_wait3A_72 : memref<100000x128xf32, #tpu.memory_space<hbm>>) dst(%dma_wait3A_67 : memref<128x128xf32, #tpu.memory_space<vmem>>)
    %add3A_73 = arith.constant 128 : i32
    %add3A_74 = arith.addi %mul3A_2, %add3A_73 : i32
    %dma_start3A_75 = arith.constant 128 : i32
    %dma_start3A_76 = arith.constant 0 : i32
    %dma_start3A_77 = tpu.memref_slice %arg10[%dma_start3A_75, %dma_start3A_76] : memref<256x128xf32, #tpu.memory_space<vmem>> -> memref<128x128xf32, #tpu.memory_space<vmem>>
    %dma_start3A_78 = arith.constant 0 : i32
    %dma_start3A_79 = tpu.memref_slice %arg6[%add3A_74, %dma_start3A_78] : memref<8192x128xf32, #tpu.memory_space<hbm>> -> memref<128x128xf32, #tpu.memory_space<hbm>>
    %dma_start3A_80 = arith.constant 0 : i32
    %dma_start3A_81 = tpu.memref_slice %arg6[%add3A_74, %dma_start3A_80] : memref<8192x128xf32, #tpu.memory_space<hbm>> -> memref<128x128xf32, #tpu.memory_space<hbm>>
    %dma_start3A_82 = arith.constant 128 : i32
    %dma_start3A_83 = arith.constant 0 : i32
    %dma_start3A_84 = tpu.memref_slice %arg10[%dma_start3A_82, %dma_start3A_83] : memref<256x128xf32, #tpu.memory_space<vmem>> -> memref<128x128xf32, #tpu.memory_space<vmem>>
    tpu.enqueue_dma source(%dma_start3A_84 : memref<128x128xf32, #tpu.memory_space<vmem>>) target(%dma_start3A_81 : memref<128x128xf32, #tpu.memory_space<hbm>>) target_semaphore(%arg14 : memref<!tpu.dma_semaphore, #tpu.memory_space<semaphore_mem>>)
    %dma_wait3A_85 = arith.constant 0 : i32
    %dma_wait3A_86 = arith.constant 0 : i32
    %dma_wait3A_87 = tpu.memref_slice %arg11[%dma_wait3A_85, %dma_wait3A_86] : memref<256x128xf32, #tpu.memory_space<vmem>> -> memref<128x128xf32, #tpu.memory_space<vmem>>
    %dma_wait3A_88 = arith.constant 0 : i32
    %dma_wait3A_89 = tpu.memref_slice %arg9[%dma_wait3A_88] : memref<256xi32, #tpu.memory_space<vmem>> -> memref<128xi32, #tpu.memory_space<vmem>>
    %dma_wait3A_90 = arith.constant 0 : i32
    %dma_wait3A_91 = arith.constant 0 : i32
    %dma_wait3A_92 = tpu.memref_slice %arg5[%dma_wait3A_90, %dma_wait3A_91] : memref<100000x128xf32, #tpu.memory_space<hbm>> -> memref<100000x128xf32, #tpu.memory_space<hbm>>
    tpu.wait_indirect_dma semaphore(%arg13 : memref<!tpu.dma_semaphore, #tpu.memory_space<semaphore_mem>>) src(%dma_wait3A_92 : memref<100000x128xf32, #tpu.memory_space<hbm>>) dst(%dma_wait3A_87 : memref<128x128xf32, #tpu.memory_space<vmem>>)
    %add3A_93 = arith.constant 0 : i32
    %add3A_94 = arith.addi %mul3A_2, %add3A_93 : i32
    %dma_start3A_95 = arith.constant 0 : i32
    %dma_start3A_96 = arith.constant 0 : i32
    %dma_start3A_97 = tpu.memref_slice %arg11[%dma_start3A_95, %dma_start3A_96] : memref<256x128xf32, #tpu.memory_space<vmem>> -> memref<128x128xf32, #tpu.memory_space<vmem>>
    %dma_start3A_98 = arith.constant 0 : i32
    %dma_start3A_99 = tpu.memref_slice %arg7[%add3A_94, %dma_start3A_98] : memref<8192x128xf32, #tpu.memory_space<hbm>> -> memref<128x128xf32, #tpu.memory_space<hbm>>
    %dma_start3A_100 = arith.constant 0 : i32
    %dma_start3A_101 = tpu.memref_slice %arg7[%add3A_94, %dma_start3A_100] : memref<8192x128xf32, #tpu.memory_space<hbm>> -> memref<128x128xf32, #tpu.memory_space<hbm>>
    %dma_start3A_102 = arith.constant 0 : i32
    %dma_start3A_103 = arith.constant 0 : i32
    %dma_start3A_104 = tpu.memref_slice %arg11[%dma_start3A_102, %dma_start3A_103] : memref<256x128xf32, #tpu.memory_space<vmem>> -> memref<128x128xf32, #tpu.memory_space<vmem>>
    tpu.enqueue_dma source(%dma_start3A_104 : memref<128x128xf32, #tpu.memory_space<vmem>>) target(%dma_start3A_101 : memref<128x128xf32, #tpu.memory_space<hbm>>) target_semaphore(%arg14 : memref<!tpu.dma_semaphore, #tpu.memory_space<semaphore_mem>>)
    %dma_wait3A_105 = arith.constant 128 : i32
    %dma_wait3A_106 = arith.constant 0 : i32
    %dma_wait3A_107 = tpu.memref_slice %arg11[%dma_wait3A_105, %dma_wait3A_106] : memref<256x128xf32, #tpu.memory_space<vmem>> -> memref<128x128xf32, #tpu.memory_space<vmem>>
    %dma_wait3A_108 = arith.constant 128 : i32
    %dma_wait3A_109 = tpu.memref_slice %arg9[%dma_wait3A_108] : memref<256xi32, #tpu.memory_space<vmem>> -> memref<128xi32, #tpu.memory_space<vmem>>
    %dma_wait3A_110 = arith.constant 0 : i32
    %dma_wait3A_111 = arith.constant 0 : i32
    %dma_wait3A_112 = tpu.memref_slice %arg5[%dma_wait3A_110, %dma_wait3A_111] : memref<100000x128xf32, #tpu.memory_space<hbm>> -> memref<100000x128xf32, #tpu.memory_space<hbm>>
    tpu.wait_indirect_dma semaphore(%arg13 : memref<!tpu.dma_semaphore, #tpu.memory_space<semaphore_mem>>) src(%dma_wait3A_112 : memref<100000x128xf32, #tpu.memory_space<hbm>>) dst(%dma_wait3A_107 : memref<128x128xf32, #tpu.memory_space<vmem>>)
    %add3A_113 = arith.constant 128 : i32
    %add3A_114 = arith.addi %mul3A_2, %add3A_113 : i32
    %dma_start3A_115 = arith.constant 128 : i32
    %dma_start3A_116 = arith.constant 0 : i32
    %dma_start3A_117 = tpu.memref_slice %arg11[%dma_start3A_115, %dma_start3A_116] : memref<256x128xf32, #tpu.memory_space<vmem>> -> memref<128x128xf32, #tpu.memory_space<vmem>>
    %dma_start3A_118 = arith.constant 0 : i32
    %dma_start3A_119 = tpu.memref_slice %arg7[%add3A_114, %dma_start3A_118] : memref<8192x128xf32, #tpu.memory_space<hbm>> -> memref<128x128xf32, #tpu.memory_space<hbm>>
    %dma_start3A_120 = arith.constant 0 : i32
    %dma_start3A_121 = tpu.memref_slice %arg7[%add3A_114, %dma_start3A_120] : memref<8192x128xf32, #tpu.memory_space<hbm>> -> memref<128x128xf32, #tpu.memory_space<hbm>>
    %dma_start3A_122 = arith.constant 128 : i32
    %dma_start3A_123 = arith.constant 0 : i32
    %dma_start3A_124 = tpu.memref_slice %arg11[%dma_start3A_122, %dma_start3A_123] : memref<256x128xf32, #tpu.memory_space<vmem>> -> memref<128x128xf32, #tpu.memory_space<vmem>>
    tpu.enqueue_dma source(%dma_start3A_124 : memref<128x128xf32, #tpu.memory_space<vmem>>) target(%dma_start3A_121 : memref<128x128xf32, #tpu.memory_space<hbm>>) target_semaphore(%arg14 : memref<!tpu.dma_semaphore, #tpu.memory_space<semaphore_mem>>)
    %dma_wait3A_125 = arith.constant 0 : i32
    %dma_wait3A_126 = arith.constant 0 : i32
    %dma_wait3A_127 = tpu.memref_slice %arg10[%dma_wait3A_125, %dma_wait3A_126] : memref<256x128xf32, #tpu.memory_space<vmem>> -> memref<128x128xf32, #tpu.memory_space<vmem>>
    %dma_wait3A_128 = arith.constant 0 : i32
    %dma_wait3A_129 = tpu.memref_slice %arg6[%add3A_54, %dma_wait3A_128] : memref<8192x128xf32, #tpu.memory_space<hbm>> -> memref<128x128xf32, #tpu.memory_space<hbm>>
    %dma_wait3A_130 = arith.constant 0 : i32
    %dma_wait3A_131 = tpu.memref_slice %arg6[%add3A_54, %dma_wait3A_130] : memref<8192x128xf32, #tpu.memory_space<hbm>> -> memref<128x128xf32, #tpu.memory_space<hbm>>
    %dma_wait3A_132 = arith.constant 0 : i32
    %dma_wait3A_133 = arith.constant 0 : i32
    %dma_wait3A_134 = tpu.memref_slice %arg10[%dma_wait3A_132, %dma_wait3A_133] : memref<256x128xf32, #tpu.memory_space<vmem>> -> memref<128x128xf32, #tpu.memory_space<vmem>>
    tpu.wait_dma2 semaphore(%arg14 : memref<!tpu.dma_semaphore, #tpu.memory_space<semaphore_mem>>) src(%dma_wait3A_134 : memref<128x128xf32, #tpu.memory_space<vmem>>) dst(%dma_wait3A_131 : memref<128x128xf32, #tpu.memory_space<hbm>>)
    %dma_wait3A_135 = arith.constant 128 : i32
    %dma_wait3A_136 = arith.constant 0 : i32
    %dma_wait3A_137 = tpu.memref_slice %arg10[%dma_wait3A_135, %dma_wait3A_136] : memref<256x128xf32, #tpu.memory_space<vmem>> -> memref<128x128xf32, #tpu.memory_space<vmem>>
    %dma_wait3A_138 = arith.constant 0 : i32
    %dma_wait3A_139 = tpu.memref_slice %arg6[%add3A_74, %dma_wait3A_138] : memref<8192x128xf32, #tpu.memory_space<hbm>> -> memref<128x128xf32, #tpu.memory_space<hbm>>
    %dma_wait3A_140 = arith.constant 0 : i32
    %dma_wait3A_141 = tpu.memref_slice %arg6[%add3A_74, %dma_wait3A_140] : memref<8192x128xf32, #tpu.memory_space<hbm>> -> memref<128x128xf32, #tpu.memory_space<hbm>>
    %dma_wait3A_142 = arith.constant 128 : i32
    %dma_wait3A_143 = arith.constant 0 : i32
    %dma_wait3A_144 = tpu.memref_slice %arg10[%dma_wait3A_142, %dma_wait3A_143] : memref<256x128xf32, #tpu.memory_space<vmem>> -> memref<128x128xf32, #tpu.memory_space<vmem>>
    tpu.wait_dma2 semaphore(%arg14 : memref<!tpu.dma_semaphore, #tpu.memory_space<semaphore_mem>>) src(%dma_wait3A_144 : memref<128x128xf32, #tpu.memory_space<vmem>>) dst(%dma_wait3A_141 : memref<128x128xf32, #tpu.memory_space<hbm>>)
    %dma_wait3A_145 = arith.constant 0 : i32
    %dma_wait3A_146 = arith.constant 0 : i32
    %dma_wait3A_147 = tpu.memref_slice %arg11[%dma_wait3A_145, %dma_wait3A_146] : memref<256x128xf32, #tpu.memory_space<vmem>> -> memref<128x128xf32, #tpu.memory_space<vmem>>
    %dma_wait3A_148 = arith.constant 0 : i32
    %dma_wait3A_149 = tpu.memref_slice %arg7[%add3A_94, %dma_wait3A_148] : memref<8192x128xf32, #tpu.memory_space<hbm>> -> memref<128x128xf32, #tpu.memory_space<hbm>>
    %dma_wait3A_150 = arith.constant 0 : i32
    %dma_wait3A_151 = tpu.memref_slice %arg7[%add3A_94, %dma_wait3A_150] : memref<8192x128xf32, #tpu.memory_space<hbm>> -> memref<128x128xf32, #tpu.memory_space<hbm>>
    %dma_wait3A_152 = arith.constant 0 : i32
    %dma_wait3A_153 = arith.constant 0 : i32
    %dma_wait3A_154 = tpu.memref_slice %arg11[%dma_wait3A_152, %dma_wait3A_153] : memref<256x128xf32, #tpu.memory_space<vmem>> -> memref<128x128xf32, #tpu.memory_space<vmem>>
    tpu.wait_dma2 semaphore(%arg14 : memref<!tpu.dma_semaphore, #tpu.memory_space<semaphore_mem>>) src(%dma_wait3A_154 : memref<128x128xf32, #tpu.memory_space<vmem>>) dst(%dma_wait3A_151 : memref<128x128xf32, #tpu.memory_space<hbm>>)
    %dma_wait3A_155 = arith.constant 128 : i32
    %dma_wait3A_156 = arith.constant 0 : i32
    %dma_wait3A_157 = tpu.memref_slice %arg11[%dma_wait3A_155, %dma_wait3A_156] : memref<256x128xf32, #tpu.memory_space<vmem>> -> memref<128x128xf32, #tpu.memory_space<vmem>>
    %dma_wait3A_158 = arith.constant 0 : i32
    %dma_wait3A_159 = tpu.memref_slice %arg7[%add3A_114, %dma_wait3A_158] : memref<8192x128xf32, #tpu.memory_space<hbm>> -> memref<128x128xf32, #tpu.memory_space<hbm>>
    %dma_wait3A_160 = arith.constant 0 : i32
    %dma_wait3A_161 = tpu.memref_slice %arg7[%add3A_114, %dma_wait3A_160] : memref<8192x128xf32, #tpu.memory_space<hbm>> -> memref<128x128xf32, #tpu.memory_space<hbm>>
    %dma_wait3A_162 = arith.constant 128 : i32
    %dma_wait3A_163 = arith.constant 0 : i32
    %dma_wait3A_164 = tpu.memref_slice %arg11[%dma_wait3A_162, %dma_wait3A_163] : memref<256x128xf32, #tpu.memory_space<vmem>> -> memref<128x128xf32, #tpu.memory_space<vmem>>
    tpu.wait_dma2 semaphore(%arg14 : memref<!tpu.dma_semaphore, #tpu.memory_space<semaphore_mem>>) src(%dma_wait3A_164 : memref<128x128xf32, #tpu.memory_space<vmem>>) dst(%dma_wait3A_161 : memref<128x128xf32, #tpu.memory_space<hbm>>)
    return
  }
}

module attributes {stable_mosaic.version = 14 : i64} {
  func.func @_dense_body(%arg0: i32, %arg1: memref<4096x128xf32, #tpu.memory_space<vmem>>, %arg2: memref<4096x128xf32, #tpu.memory_space<vmem>>, %arg3: memref<384x128xf32, #tpu.memory_space<vmem>>, %arg4: memref<384x1xf32, #tpu.memory_space<vmem>>, %arg5: memref<1x1x4096xf32, #tpu.memory_space<vmem>>) attributes {dimension_semantics = [#tpu.dimension_semantics<arbitrary>], iteration_bounds = array<i64: 2>, scalar_prefetch = 0 : i64, scratch_operands = 0 : i64, tpu.core_type = #tpu.core_type<tc>, window_params = [{transform_indices = @transform_0, window_bounds = array<i64: 4096, 128>}, {transform_indices = @transform_1, window_bounds = array<i64: 4096, 128>}, {pipeline_mode = #tpu.pipeline_mode<synchronous>, transform_indices = @transform_2, window_bounds = array<i64: 384, 128>}, {pipeline_mode = #tpu.pipeline_mode<synchronous>, transform_indices = @transform_3, window_bounds = array<i64: 384, 1>}, {transform_indices = @transform_4, window_bounds = array<i64: 1, 1, 4096>}]} {
    %get3A = arith.constant 0 : index
    %get3A_0 = arith.constant 0 : index
    %get3A_1 = vector.load %arg3[%get3A, %get3A_0] : memref<384x128xf32, #tpu.memory_space<vmem>>, vector<384x128xf32>
    %convert_element_type3A = arith.truncf %get3A_1 : vector<384x128xf32> to vector<384x128xbf16>
    %get3A_2 = arith.constant 0 : index
    %get3A_3 = arith.constant 0 : index
    %get3A_4 = vector.load %arg1[%get3A_2, %get3A_3] : memref<4096x128xf32, #tpu.memory_space<vmem>>, vector<4096x128xf32>
    %convert_element_type3A_5 = arith.truncf %get3A_4 : vector<4096x128xf32> to vector<4096x128xbf16>
    %dot_general3A = arith.constant dense<0.000000e+00> : vector<384x4096xf32>
    %dot_general3A_6 = tpu.matmul %convert_element_type3A, %convert_element_type3A_5, %dot_general3A {dimension_numbers = #tpu.dot_dimension_numbers<[1], [1], [0], [0], [0, 0, 1, 0], [], []>, transpose_lhs_hint = false} : vector<384x128xbf16>, vector<4096x128xbf16>, vector<384x4096xf32> -> vector<384x4096xf32>
    %get3A_7 = arith.constant 0 : index
    %get3A_8 = arith.constant 0 : index
    %get3A_9 = vector.load %arg2[%get3A_7, %get3A_8] : memref<4096x128xf32, #tpu.memory_space<vmem>>, vector<4096x128xf32>
    %convert_element_type3A_10 = arith.truncf %get3A_9 : vector<4096x128xf32> to vector<4096x128xbf16>
    %dot_general3A_11 = arith.constant dense<0.000000e+00> : vector<384x4096xf32>
    %dot_general3A_12 = tpu.matmul %convert_element_type3A, %convert_element_type3A_10, %dot_general3A_11 {dimension_numbers = #tpu.dot_dimension_numbers<[1], [1], [0], [0], [0, 0, 1, 0], [], []>, transpose_lhs_hint = false} : vector<384x128xbf16>, vector<4096x128xbf16>, vector<384x4096xf32> -> vector<384x4096xf32>
    %get3A_13 = arith.constant 0 : index
    %get3A_14 = arith.constant 0 : index
    %get3A_15 = vector.load %arg4[%get3A_13, %get3A_14] : memref<384x1xf32, #tpu.memory_space<vmem>>, vector<384x1xf32>
    %add3A = vector.broadcast %get3A_15 : vector<384x1xf32> to vector<384x4096xf32>
    %add3A_16 = arith.addf %dot_general3A_6, %add3A : vector<384x4096xf32>
    %max3A = arith.constant 0.000000e+00 : f32
    %max3A_17 = vector.broadcast %max3A : f32 to vector<384x4096xf32>
    %max3A_18 = arith.maximumf %add3A_16, %max3A_17 : vector<384x4096xf32>
    %add3A_19 = vector.broadcast %get3A_15 : vector<384x1xf32> to vector<384x4096xf32>
    %add3A_20 = arith.addf %dot_general3A_12, %add3A_19 : vector<384x4096xf32>
    %max3A_21 = arith.constant 0.000000e+00 : f32
    %max3A_22 = vector.broadcast %max3A_21 : f32 to vector<384x4096xf32>
    %max3A_23 = arith.maximumf %add3A_20, %max3A_22 : vector<384x4096xf32>
    %mul3A = arith.mulf %max3A_18, %max3A_23 : vector<384x4096xf32>
    %reduce_sum3A = arith.constant dense<0.000000e+00> : vector<4096xf32>
    %reduce_sum3A_24 = vector.multi_reduction <add>, %mul3A, %reduce_sum3A [0] : vector<384x4096xf32> to vector<4096xf32>
    %broadcast_in_dim3A = vector.shape_cast %reduce_sum3A_24 : vector<4096xf32> to vector<1x4096xf32>
    %mul3A_25 = arith.mulf %max3A_18, %max3A_18 : vector<384x4096xf32>
    %reduce_sum3A_26 = arith.constant dense<0.000000e+00> : vector<4096xf32>
    %reduce_sum3A_27 = vector.multi_reduction <add>, %mul3A_25, %reduce_sum3A_26 [0] : vector<384x4096xf32> to vector<4096xf32>
    %broadcast_in_dim3A_28 = vector.shape_cast %reduce_sum3A_27 : vector<4096xf32> to vector<1x4096xf32>
    %mul3A_29 = arith.mulf %max3A_23, %max3A_23 : vector<384x4096xf32>
    %reduce_sum3A_30 = arith.constant dense<0.000000e+00> : vector<4096xf32>
    %reduce_sum3A_31 = vector.multi_reduction <add>, %mul3A_29, %reduce_sum3A_30 [0] : vector<384x4096xf32> to vector<4096xf32>
    %broadcast_in_dim3A_32 = vector.shape_cast %reduce_sum3A_31 : vector<4096xf32> to vector<1x4096xf32>
    %max3A_33 = arith.constant 1.000000e-16 : f32
    %max3A_34 = vector.broadcast %max3A_33 : f32 to vector<1x4096xf32>
    %max3A_35 = arith.maximumf %broadcast_in_dim3A_28, %max3A_34 : vector<1x4096xf32>
    %max3A_36 = arith.constant 1.000000e-16 : f32
    %max3A_37 = vector.broadcast %max3A_36 : f32 to vector<1x4096xf32>
    %max3A_38 = arith.maximumf %broadcast_in_dim3A_32, %max3A_37 : vector<1x4096xf32>
    %mul3A_39 = arith.mulf %max3A_35, %max3A_38 : vector<1x4096xf32>
    %sqrt3A = math.sqrt %mul3A_39 : vector<1x4096xf32>
    %div3A = arith.divf %broadcast_in_dim3A, %sqrt3A : vector<1x4096xf32>
    %broadcast_in_dim3A_40 = vector.shape_cast %div3A : vector<1x4096xf32> to vector<1x1x4096xf32>
    %swap3A = arith.constant 0 : index
    %swap3A_41 = arith.constant 0 : index
    %swap3A_42 = arith.constant 0 : index
    %swap3A_43 = vector.load %arg5[%swap3A, %swap3A_41, %swap3A_42] : memref<1x1x4096xf32, #tpu.memory_space<vmem>>, vector<1x1x4096xf32>
    tpu.vector_store %arg5[%swap3A, %swap3A_41, %swap3A_42], %broadcast_in_dim3A_40 {strides = array<i32>} : memref<1x1x4096xf32, #tpu.memory_space<vmem>>, vector<1x1x4096xf32>,
    return
  }
  func.func @transform_0(%arg0: i32) -> (i32, i32) {
    %c0_i32 = arith.constant 0 : i32
    %c0_i32_0 = arith.constant 0 : i32
    return %arg0, %c0_i32 : i32, i32
  }
  func.func @transform_1(%arg0: i32) -> (i32, i32) {
    %c0_i32 = arith.constant 0 : i32
    %c0_i32_0 = arith.constant 0 : i32
    return %arg0, %c0_i32 : i32, i32
  }
  func.func @transform_2(%arg0: i32) -> (i32, i32) {
    %c0_i32 = arith.constant 0 : i32
    %c0_i32_0 = arith.constant 0 : i32
    %c0_i32_1 = arith.constant 0 : i32
    return %c0_i32, %c0_i32_0 : i32, i32
  }
  func.func @transform_3(%arg0: i32) -> (i32, i32) {
    %c0_i32 = arith.constant 0 : i32
    %c0_i32_0 = arith.constant 0 : i32
    %c0_i32_1 = arith.constant 0 : i32
    return %c0_i32, %c0_i32_0 : i32, i32
  }
  func.func @transform_4(%arg0: i32) -> (i32, i32, i32) {
    %c0_i32 = arith.constant 0 : i32
    %c0_i32_0 = arith.constant 0 : i32
    %c0_i32_1 = arith.constant 0 : i32
    return %arg0, %c0_i32, %c0_i32_0 : i32, i32, i32
  }
}

</mosaic_0001>

<sc_bundles>
// kernel: kernel.6.cloned.1.call-start
scs
__scs_entry_jumppad:
0x0: {  	(pc) =	sbr.rel $0x88, $3  }
0x1: {  	(tag) =	ssettag $0x0;
	lr =	simm.s32 $0x1  }
0x2: {  	[smem:$0x3F9B] =	sst lr;
	_ =	strace $0xD0000000  }
0x3: {  	_ = 	snop  }
0x4: {  	_ = 	snop  }
0x5: {  	_ = 	snop  }
0x6: {  	_ = 	snop  }
0x7: {  	_ = 	snop  }
__scs_overlays_trampoline_lowered:
0x8: {  	[smem:$0x3FAA] =	sst s0  }
0x9: {  	[smem:$0x3FAB] =	sst s1  }
0xa: {  	[smem:$0x3FAC] =	sst s2  }
0xb: {  	[smem:$0x3FAD] =	sst s3  }
0xc: {  	[smem:$0x3FAE] =	sst s4  }
0xd: {  	[smem:$0x3FAF] =	sst s5  }
0xe: {  	[smem:$0x3FB0] =	sst s6  }
0xf: {  	[smem:$0x3FB1] =	sst s7  }
0x10: {  	[smem:$0x3FB2] =	sst s8  }
0x11: {  	[smem:$0x3FB3] =	sst s9;
	s0 =	simm.s32 @!p0 $0x0  }
0x12: {  	s1 =	sld [smem:$0x3F99];
	s0 =	simm.s32 @p0 $0x1  }
0x13: {  	[smem:$0x3FB4] =	sst s0;
	s0 =	simm.s32 @!p1 $0x0  }
0x14: {  	s2 =	sld [smem:$0x3F98];
	s0 =	simm.s32 @p1 $0x1  }
0x15: {  	[smem:$0x3FB5] =	sst s0;
	s0 =	simm.s32 @!p2 $0x0  }
0x16: {  	s3 =	sld [smem:$0x3FDB];
	s0 =	simm.s32 @p2 $0x1  }
0x17: {  	s4 =	simm.s32 $0x1BF5;
	[smem:$0x3FB7] =	sst s0  }
0x18: {  	s0 =	sld [smem:$0x3F9A];
	_ =	swait.ge [sflag:s4], $0x0  }
0x19: {  	s7 =	sld [smem:$0x3F9B]  }
0x1a: {  	s8 =	sadd.s32 $0xFFFFE003, lr  }
0x1b: {  	s9 =	sadd.s32 $0xFFFFFEF7, lr;
	s5 =	simm.s32 $0xFFFFFFFF;
	p2 =	slt.u32 s8, $0xFFFFF086  }
0x1c: {  	p1 =	slt.u32 s9, $0xF7A;
	s5 =	simm.s32 @!p2 $0x0  }
0x1d: {  	s5 =	simm.s32 @p1 $0x1;
	p0 =	seq.s32 s7, s2  }
0x1e: {  	s7 =	smul.u32 @!p0 $0xF7A, s2;
	p2 =	seq.s32 @!p0 s5, $0x0  }
0x1f: {  	s9 =	smul.u32 $0xF7A, s1;
	s8 =	simm.s32 @!p0 $0x1BF5;
	p2 =	por !p2, p0  }
0x20: {  	[sflag:s8] =	ssyncset.s32 @!p0 $0xFFFFF086;
	s6 =	sadd.s32 @!p0 s3, s7;
	s7 =	simm.s32 @!p0 $0x108  }
0x21: {  	s3 =	sadd.s32 s3, s9;
	s6 =	sadd.s32 @!p0 $0x88, s6;
	s7 =	simm.s32 @p2 $0x1082  }
0x22: {  	[simem:s7], [sflag:s8] =	dma.local @!p0 [hbm:s6], $0xF7A  }
0x23: {  	s9 =	sor.u32 $0xD0000000, s2;
	s6 =	simm.s32 $0x108;
	_ =	swait.ge @!p0 [sflag:s8], $0x0  }
0x24: {  	s3 =	sadd.s32 $0x88, s3;
	s6 =	simm.s32 @!p1 $0x1082;
	[sflag:s4] =	ssyncset.s32 $0xFFFFF086  }
0x25: {  	[simem:s6], [sflag:s4] =	dma.local [hbm:s3], $0xF7A  }
0x26: {  	[smem:$0x3F9B] =	sst s1;
	(tag) =	ssettag s2;
	_ =	strace s9  }
0x27: {  	s1 =	sld [smem:$0x3FAB]  }
0x28: {  	s2 =	sld [smem:$0x3FAC]  }
0x29: {  	s4 =	sld [smem:$0x3FAE]  }
0x2a: {  	p0 =	seq.s32 s5, $0x0;
	s5 =	sld [smem:$0x3FAF]  }
0x2b: {  	s6 =	sld [smem:$0x3FB0]  }
0x2c: {  	s7 =	sld [smem:$0x3FB1]  }
0x2d: {  	s3 =	simm.s32 $0x108;
	s8 =	sld [smem:$0x3FB2]  }
0x2e: {  	s3 =	simm.s32 @!p0 $0x1082;
	s9 =	sld [smem:$0x3FB3]  }
0x2f: {  	lr =	sadd.s32 s0, s3;
	s0 =	sld [smem:$0x3FAA]  }
0x30: {  	s3 =	sld [smem:$0x3FAD]  }
0x31: {  	[smem:$0x3FB6] =	sst s10  }
0x32: {  	s10 =	sld [smem:$0x3FB4];
	_ =	sdelay $0x3  }
0x33: {  	p0 =	seq.s32 s10, $0x1;
	s10 =	sld [smem:$0x3FB6];
	_ =	sdelay $0x3  }
0x34: {  	[smem:$0x3FB6] =	sst s10  }
0x35: {  	s10 =	sld [smem:$0x3FB5];
	_ =	sdelay $0x3  }
0x36: {  	p1 =	seq.s32 s10, $0x1;
	s10 =	sld [smem:$0x3FB6];
	_ =	sdelay $0x3  }
0x37: {  	[smem:$0x3FB6] =	sst s10  }
0x38: {  	s10 =	sld [smem:$0x3FB7]  }
0x39: {  	_ = 	snop;
	(pc) =	sbr.ind lr, $3  }
0x3a: {  	_ = 	snop  }
0x3b: {  	_ = 	snop  }
0x3c: {  	p2 =	seq.s32 s10, $0x1;
	s10 =	sld [smem:$0x3FB6]  }
0x3d: {  	_ =	shalt  }
0x3e: {  	_ =	shalt  }
0x3f: {  	_ =	shalt  }
0x40: {  	_ =	shalt  }
0x41: {  	_ =	shalt  }
0x42: {  	_ =	shalt  }
0x43: {  	_ =	shalt  }
0x44: {  	_ =	shalt  }
0x45: {  	_ =	shalt  }
0x46: {  	_ =	shalt  }
0x47: {  	_ =	shalt  }
0x48: {  	_ =	shalt  }
0x49: {  	_ =	shalt  }
0x4a: {  	_ =	shalt  }
0x4b: {  	_ =	shalt  }
0x4c: {  	_ =	shalt  }
0x4d: {  	_ =	shalt  }
0x4e: {  	_ =	shalt  }
0x4f: {  	_ =	shalt  }
0x50: {  	_ =	shalt  }
0x51: {  	_ =	shalt  }
0x52: {  	_ =	shalt  }
0x53: {  	_ =	shalt  }
0x54: {  	_ =	shalt  }
0x55: {  	_ =	shalt  }
0x56: {  	_ =	shalt  }
0x57: {  	_ =	shalt  }
0x58: {  	_ =	shalt  }
0x59: {  	_ =	shalt  }
0x5a: {  	_ =	shalt  }
0x5b: {  	_ =	shalt  }
0x5c: {  	_ =	shalt  }
0x5d: {  	_ =	shalt  }
0x5e: {  	_ =	shalt  }
0x5f: {  	_ =	shalt  }
0x60: {  	_ =	shalt  }
0x61: {  	_ =	shalt  }
0x62: {  	_ =	shalt  }
0x63: {  	_ =	shalt  }
0x64: {  	_ =	shalt  }
0x65: {  	_ =	shalt  }
0x66: {  	_ =	shalt  }
0x67: {  	_ =	shalt  }
0x68: {  	_ =	shalt  }
0x69: {  	_ =	shalt  }
0x6a: {  	_ =	shalt  }
0x6b: {  	_ =	shalt  }
0x6c: {  	_ =	shalt  }
0x6d: {  	_ =	shalt  }
0x6e: {  	_ =	shalt  }
0x6f: {  	_ =	shalt  }
0x70: {  	_ =	shalt  }
0x71: {  	_ =	shalt  }
0x72: {  	_ =	shalt  }
0x73: {  	_ =	shalt  }
0x74: {  	_ =	shalt  }
0x75: {  	_ =	shalt  }
0x76: {  	_ =	shalt  }
0x77: {  	_ =	shalt  }
0x78: {  	_ =	shalt  }
0x79: {  	_ =	shalt  }
0x7a: {  	_ =	shalt  }
0x7b: {  	_ =	shalt  }
0x7c: {  	_ =	shalt  }
0x7d: {  	_ =	shalt  }
0x7e: {  	_ =	shalt  }
0x7f: {  	_ =	shalt  }
0x80: {  	_ =	shalt  }
0x81: {  	_ =	shalt  }
0x82: {  	_ =	shalt  }
0x83: {  	_ =	shalt  }
0x84: {  	_ =	shalt  }
0x85: {  	_ =	shalt  }
0x86: {  	_ =	shalt  }
0x87: {  	_ =	shalt  }
.Lfunc_end0:
.L_simem_size_0:
called_computation_lowered:
.L_overlay_start_0:
0x88: {  	s2 =	sld [smem:$0x3FD9]  }
0x89: {  	s3 =	sld [smem:$0x3FFE];
	_ =	sdelay $0x1  }
0x8a: {  	s1 =	srdreg.scid  }
0x8b: {  	s0 =	sand.u32 $0x1, s1  }
0x8c: {  	s17 =	sshll.u32 s0, $0xA;
	s2 =	sadd.s32 s3, s2  }
0x8d: {  	s2 =	sadd.s32 s2, s17  }
0x8e: {  	[smem:$0x3FC2] =	sst s2  }
0x8f: {  	_ = 	snop  }
0x90: {  	s18 =	sld [smem:$0x3FC9]  }
0x91: {  	s4 =	sld [smem:$0x3FC8]  }
0x92: {  	s5 =	sld [smem:$0x3FC7]  }
0x93: {  	s6 =	sld [smem:$0x3FC6];
	(tm) =	ssettm $0x1  }
0x94: {  	s19 =	sld [smem:$0x3FFB];
	_ =	sdelay $0x3  }
0x95: {  	_ =	strace s19  }
0x96: {  	s2 =	sld [smem:$0x3FFC];
	_ =	sdelay $0x3  }
0x97: {  	_ =	strace s2  }
0x98: {  	s2 =	sld [smem:$0x3FFD];
	_ =	sdelay $0x3  }
0x99: {  	_ =	strace s2  }
0x9a: {  	_ =	strace $0x8FFFFFFF  }
0x9b: {  	s20 =	sld [smem:$0x3FDB];
	_ =	sdelay $0x1  }
0x9c: {  	s7 =	simm.s32 $_scs_section_size  }
0x9d: {  	s8 =	simm.s32 $_size__tile_overlayer_lowered;
	s9 =	simm.s32 $_tile_overlayer_lowered  }
0x9e: {  	s10 =	simm.s32 $0x1BFF;
	s21 =	sshll.u32 s9, $0x1;
	s7 =	sadd.s32 s7, s20  }
0x9f: {  	s22 =	simm.s32 $0x0;
	s8 =	sshll.u32 s8, $0x1;
	s9 =	sadd.s32 s21, s7  }
0xa0: {  	[timem:s22], [sflag:s10] =	dma.local [hbm:s9], s8  }
0xa1: {  	_ =	swait.ge [sflag:s10], s8  }
0xa2: {  	s8 =	ssub.s32 $0x0, s8;
	[sflag:s10] =	ssyncset.done $0x0  }
0xa3: {  	[sflag:s10] =	ssyncadd.s32 s8;
	_ =	sdelay $0x1  }
0xa4: {  	s23 =	simm.s32 $0x1B8B  }
0xa5: {  	_ =	swait.ge [sflag:s23], $0x1  }
0xa6: {  	[sflag:s23] =	ssyncset.done $0x0  }
0xa7: {  	[sflag:s23] =	ssyncadd.s32 $0xFFFFFFFF  }
0xa8: {  	s8 =	sld [smem:$0x0]  }
0xa9: {  	s9 =	sand.u32 $0xFFFFFFFE, s1  }
0xaa: {  	p0 =	sne.s32 s1, s9  }
0xab: {  	s9 =	sshll.u32 @p0 s9, $0xE  }
0xac: {  	s9 =	sadd.s32 @p0 $0x11B8D, s9;
	s10 =	sshll.u32 @p0 s8, $0x11  }
0xad: {  	s9 =	sor.u32 @p0 s10, s9  }
0xae: {  	[sflag:s9] =	ssyncadd.remote.s32 @p0 $0x1;
	_ =	sdelay $0x1  }
0xaf: {  	s9 =	simm.s32 @p0 $0x1B8D  }
0xb0: {  	_ =	swait.eq @p0 [sflag:s9], $0x1  }
0xb1: {  	[sflag:s9] =	ssyncadd.s32 @p0 $0xFFFFFFFF  }
0xb2: {  	s10 =	sshll.u32 @!p0 s1, $0xE  }
0xb3: {  	s10 =	sor.u32 @!p0 $0x4000, s10;
	s9 =	simm.s32 @!p0 $0x1B8D  }
0xb4: {  	s8 =	sshll.u32 @!p0 s8, $0x11;
	s10 =	sadd.s32 @!p0 $0x11B8D, s10;
	_ =	swait.eq @!p0 [sflag:s9], $0x1  }
0xb5: {  	s8 =	sor.u32 @!p0 s8, s10;
	[sflag:s9] =	ssyncadd.s32 @!p0 $0xFFFFFFFF  }
0xb6: {  	s25 =	simm.s32 $0x1B8E;
	s24 =	sld [smem:$0x3FFE];
	[sflag:s8] =	ssyncadd.remote.s32 @!p0 $0x1  }
0xb7: {  	s26 =	simm.s32 $execute0_lowered;
	[smem:$0x3FD2] =	sst s25  }
0xb8: {  	s9 =	sshll.u32 s26, $0x1;
	_ =	strace $0x80000049;
	[dreg:$0x1] =	wrdreg $0xFFFFFFFF  }
0xb9: {  	s28 =	simm.s32 $_size_execute0_lowered;
	s7 =	sadd.s32 s7, s9;
	[dreg:$0x0] =	wrdreg $0x0  }
0xba: {  	s9 =	sshll.u32 s28, $0x1;
	[dreg:$0x2] =	wrdreg s7  }
0xbb: {  	[dreg:$0x3] =	wrdreg s9  }
0xbc: {  	[dreg:$0x4] =	wrdreg $0xC0  }
0xbd: {  	_ =	task [dreg:s22], $0x5FFFF  }
0xbe: {  	[dreg:$0x1] =	wrdreg $0xFFFFFFFF  }
0xbf: {  	[dreg:$0x0] =	wrdreg $0x60  }
0xc0: {  	[dreg:$0x2] =	wrdreg s18  }
0xc1: {  	[dreg:$0x3] =	wrdreg s4  }
0xc2: {  	[dreg:$0x4] =	wrdreg s5  }
0xc3: {  	[dreg:$0x5] =	wrdreg s6  }
0xc4: {  	[dreg:$0x6] =	wrdreg s24  }
0xc5: {  	[dreg:$0x7] =	wrdreg $0x9  }
0xc6: {  	_ =	task.clear_ibuf [dreg:s22], $0x8FFFF;
	_ =	strace $0x90000049  }
0xc7: {  	s29 =	simm.s32 $0x9;
	_ =	strace $0x8000004B  }
0xc8: {  	_ =	swait.ge [sflag:s29], $0x1  }
0xc9: {  	[sflag:s29] =	ssyncadd.s32 $0xFFFFFFFF  }
0xca: {  	_ =	strace $0x9000004B  }
0xcb: {  	_ =	sfence  }
0xcc: {  	s30 =	sld [smem:$0x0];
	_ =	sdelay $0x2  }
0xcd: {  	s31 =	sshll.u32 s1, $0xD;
	s1 =	sshrl.u32 s1, $0x2  }
0xce: {  	s4 =	sand.u32 $0x4000, s31;
	s1 =	sadd.s32 s1, s30  }
0xcf: {  	s0 =	sor.u32 s4, s0;
	s1 =	sshll.u32 s1, $0x11  }
0xd0: {  	s0 =	sor.u32 s1, s0  }
0xd1: {  	s0 =	sadd.s32 $0x8F2B, s0  }
0xd2: {  	[sflag:s0] =	ssyncadd.remote.s32 $0x1  }
0xd3: {  	_ =	sfence.sel $0xFFFF  }
0xd4: {  	[dreg:$0x0] =	wrdreg $0xFFFFFFFF;
	(pc) =	sbr.abs _section_cstart, $3  }
0xd5: {  	[dreg:$0x1] =	wrdreg $0xFFFFFFFF  }
0xd6: {  	_ =	task.clear_ibuf [dreg:s22], $0x2FFFF;
	_ =	strace $0x9FFFFFFF  }
0xd7: {  	(tm) =	ssettm $0x7FFFFFFF  }
tec
execute0_lowered:
.L_overlay_start_1:
0x0: {  	(tag) =	ssettag $0x1  }
0x1: {  	s5 =	rddreg [dreg:$0x0]  }
0x2: {  	s6 =	rddreg [dreg:$0x1];
	s2 =	srdreg.scid  }
0x3: {  	s1 =	rddreg [dreg:$0x2];
	s0 =	stileid.u32;
	s21 =	sand.u32 $0x1, s2  }
0x4: {  	s3 =	rddreg [dreg:$0x3];
	s7 =	sshll.u32 s0, $0x9;
	s8 =	sshll.u32 s21, $0x8  }
0x5: {  	s18 =	rddreg [dreg:$0x4];
	s4 =	simm.s32 $0x0;
	s16 =	sor.u32 s8, s7  }
0x6: {  	[smem:$0x7FF] =	sst s4;
	s7 =	sshrl.u32 s16, $0x3  }
0x7: {  	s2 =	rddreg [dreg:$0x5];
	_ =	strace $0x8000004A;
	s5 =	sadd.s32 s5, s7  }
0x8: {  	[tilespmem:s4], [sflag:$0x1] =	stream.linear.gather [hbm4b:s5+s4], $0x100, $0x38;
	[tilespmem:$0x10200] =	vst v63  }
0x9: {  	s8 =	simm.s32 $0x1;
	s6 =	sadd.s32 s6, s7;
	s7 =	simm.s32 $0x100  }
0xa: {  	[tilespmem:s7], [sflag:$0x1] =	stream.linear.gather [hbm4b:s6+s4], $0x100, $0x38;
	[tilespmem:$0x10200] =	vst v63  }
0xb: {  	_ =	swait.ge [sflag:s8], $0x100  }
0xc: {  	[sflag:s8] =	ssyncset.done $0x0  }
0xd: {  	[sflag:s8] =	ssyncadd.s32 $0xFFFFFF00  }
0xe: {  	_ =	swait.ge [sflag:s8], $0x100  }
0xf: {  	[sflag:s8] =	ssyncset.done $0x0  }
0x10: {  	s9 =	simm.s32 $0x80;
	s10 =	simm.s32 $0x200;
	[sflag:s8] =	ssyncadd.s32 $0xFFFFFF00  }
0x11: {  	[tilespmem:s10], [sflag:$0x2] =	stream.indirect.gather [hbm4b:s1+s9], $0x80, s4, s9, $0xb8;
	[tilespmem:$0x10200] =	vst v63  }
0x12: {  	s11 =	simm.s32 $0x4200  }
0x13: {  	[tilespmem:s11], [sflag:$0x2] =	stream.indirect.gather [hbm4b:s1+s9], $0x80, s9, s9, $0xb8;
	[tilespmem:$0x10200] =	vst v63  }
0x14: {  	s12 =	simm.s32 $0x8200  }
0x15: {  	[tilespmem:s12], [sflag:$0x2] =	stream.indirect.gather [hbm4b:s3+s9], $0x80, s7, s9, $0xb8;
	[tilespmem:$0x10200] =	vst v63  }
0x16: {  	s13 =	simm.s32 $0x180;
	s14 =	simm.s32 $0xC200;
	s15 =	simm.s32 $0x2  }
0x17: {  	[tilespmem:s14], [sflag:$0x2] =	stream.indirect.gather [hbm4b:s3+s9], $0x80, s13, s9, $0xb8;
	[tilespmem:$0x10200] =	vst v63  }
0x18: {  	_ =	swait.ge [sflag:s15], $0x4000  }
0x19: {  	s17 =	sadd.s32 $0x41C00, s18;
	s19 =	sshll.u32 s16, $0x4;
	[sflag:s15] =	ssyncset.done $0x0  }
0x1a: {  	s16 =	sadd.s32 s17, s19;
	[sflag:s15] =	ssyncadd.s32 $0xFFFFC000  }
0x1b: {  	[hbm4b:s16+s4] =	stream.linear.scatter [tilespmem:s10], [sflag:$0x3], $0x4000, $0x38;
	[tilespmem:$0x10200] =	vst v63  }
0x1c: {  	_ =	swait.ge [sflag:s15], $0x4000  }
0x1d: {  	s20 =	sor.u32 $0x800, s19;
	[sflag:s15] =	ssyncset.done $0x0  }
0x1e: {  	s17 =	sadd.s32 s17, s20;
	[sflag:s15] =	ssyncadd.s32 $0xFFFFC000  }
0x1f: {  	[hbm4b:s17+s4] =	stream.linear.scatter [tilespmem:s11], [sflag:$0x3], $0x4000, $0x38;
	[tilespmem:$0x10200] =	vst v63  }
0x20: {  	_ =	swait.ge [sflag:s15], $0x4000  }
0x21: {  	s22 =	sadd.s32 $0x61C00, s18;
	[sflag:s15] =	ssyncset.done $0x0  }
0x22: {  	s18 =	sadd.s32 s22, s19;
	[sflag:s15] =	ssyncadd.s32 $0xFFFFC000  }
0x23: {  	[hbm4b:s18+s4] =	stream.linear.scatter [tilespmem:s12], [sflag:$0x3], $0x4000, $0x38;
	[tilespmem:$0x10200] =	vst v63  }
0x24: {  	_ =	swait.ge [sflag:s15], $0x4000  }
0x25: {  	[sflag:s15] =	ssyncset.done $0x0  }
0x26: {  	s19 =	simm.s32 $0x3;
	s20 =	sadd.s32 s22, s20;
	[sflag:s15] =	ssyncadd.s32 $0xFFFFC000  }
0x27: {  	[hbm4b:s20+s4] =	stream.linear.scatter [tilespmem:s14], [sflag:$0x3], $0x4000, $0x38;
	[tilespmem:$0x10200] =	vst v63  }
0x28: {  	_ =	swait.ge [sflag:s19], $0x4000  }
0x29: {  	s21 =	ssub.s32 $0x2, s21;
	[sflag:s19] =	ssyncset.done $0x0  }
0x2a: {  	s31 =	sshrl.u32 s21, $0x1;
	[sflag:s19] =	ssyncadd.s32 $0xFFFFC000  }
0x2b: {  	s21 =	ssub.s32 s21, s31;
	_ =	swait.ge [sflag:s19], $0x4000  }
0x2c: {  	s21 =	smax.u32 s21, $0x1;
	[sflag:s19] =	ssyncset.done $0x0  }
0x2d: {  	p0 =	sne.s32 s21, $0x1;
	[sflag:s19] =	ssyncadd.s32 $0xFFFFC000  }
.Ltmp0:
0x2e: {  	_ =	swait.ge [sflag:s19], $0x4000;
	(pc) =	sbr.rel @!p0 .LBB2_2-.Ltmp0, $4  }
0x2f: {  	[sflag:s19] =	ssyncset.done $0x0  }
0x30: {  	[sflag:s19] =	ssyncadd.s32 $0xFFFFC000  }
0x31: {  	_ =	swait.ge [sflag:s19], $0x4000  }
0x32: {  	s21 =	sadd.s32 $0xFFFFFFFF, s21;
	[sflag:s19] =	ssyncset.done $0x0  }
.LBB2_1:
0x33: {  	p0 =	sne.s32 s21, $0x1;
	s21 =	sadd.s32 $0xFFFFFFFF, s21;
	[sflag:s19] =	ssyncadd.s32 $0xFFFFC000  }
0x34: {  	[tilespmem:s4], [sflag:$0x1] =	stream.linear.gather [hbm4b:s5+s4], $0x100, $0x38;
	[tilespmem:$0x10200] =	vst v63  }
0x35: {  	_ = 	snop  }
0x36: {  	[tilespmem:s7], [sflag:$0x1] =	stream.linear.gather [hbm4b:s6+s4], $0x100, $0x38;
	[tilespmem:$0x10200] =	vst v63  }
0x37: {  	_ =	swait.ge [sflag:s8], $0x100  }
0x38: {  	[sflag:s8] =	ssyncset.done $0x0  }
0x39: {  	[sflag:s8] =	ssyncadd.s32 $0xFFFFFF00  }
0x3a: {  	_ =	swait.ge [sflag:s8], $0x100  }
0x3b: {  	[sflag:s8] =	ssyncset.done $0x0  }
0x3c: {  	[sflag:s8] =	ssyncadd.s32 $0xFFFFFF00  }
0x3d: {  	[tilespmem:s10], [sflag:$0x2] =	stream.indirect.gather [hbm4b:s1+s9], $0x80, s4, s9, $0xb8;
	[tilespmem:$0x10200] =	vst v63  }
0x3e: {  	_ = 	snop  }
0x3f: {  	[tilespmem:s11], [sflag:$0x2] =	stream.indirect.gather [hbm4b:s1+s9], $0x80, s9, s9, $0xb8;
	[tilespmem:$0x10200] =	vst v63  }
0x40: {  	_ = 	snop  }
0x41: {  	[tilespmem:s12], [sflag:$0x2] =	stream.indirect.gather [hbm4b:s3+s9], $0x80, s7, s9, $0xb8;
	[tilespmem:$0x10200] =	vst v63  }
0x42: {  	_ = 	snop  }
0x43: {  	[tilespmem:s14], [sflag:$0x2] =	stream.indirect.gather [hbm4b:s3+s9], $0x80, s13, s9, $0xb8;
	[tilespmem:$0x10200] =	vst v63  }
0x44: {  	_ =	swait.ge [sflag:s15], $0x4000  }
0x45: {  	[sflag:s15] =	ssyncset.done $0x0  }
0x46: {  	[sflag:s15] =	ssyncadd.s32 $0xFFFFC000  }
0x47: {  	[hbm4b:s16+s4] =	stream.linear.scatter [tilespmem:s10], [sflag:$0x3], $0x4000, $0x38;
	[tilespmem:$0x10200] =	vst v63  }
0x48: {  	_ =	swait.ge [sflag:s15], $0x4000  }
0x49: {  	[sflag:s15] =	ssyncset.done $0x0  }
0x4a: {  	[sflag:s15] =	ssyncadd.s32 $0xFFFFC000  }
0x4b: {  	[hbm4b:s17+s4] =	stream.linear.scatter [tilespmem:s11], [sflag:$0x3], $0x4000, $0x38;
	[tilespmem:$0x10200] =	vst v63  }
0x4c: {  	_ =	swait.ge [sflag:s15], $0x4000  }
0x4d: {  	[sflag:s15] =	ssyncset.done $0x0  }
0x4e: {  	[sflag:s15] =	ssyncadd.s32 $0xFFFFC000  }
0x4f: {  	[hbm4b:s18+s4] =	stream.linear.scatter [tilespmem:s12], [sflag:$0x3], $0x4000, $0x38;
	[tilespmem:$0x10200] =	vst v63  }
0x50: {  	_ =	swait.ge [sflag:s15], $0x4000  }
0x51: {  	[sflag:s15] =	ssyncset.done $0x0  }
0x52: {  	[sflag:s15] =	ssyncadd.s32 $0xFFFFC000  }
0x53: {  	[hbm4b:s20+s4] =	stream.linear.scatter [tilespmem:s14], [sflag:$0x3], $0x4000, $0x38;
	[tilespmem:$0x10200] =	vst v63  }
0x54: {  	_ =	swait.ge [sflag:s19], $0x4000  }
0x55: {  	[sflag:s19] =	ssyncset.done $0x0  }
0x56: {  	[sflag:s19] =	ssyncadd.s32 $0xFFFFC000  }
0x57: {  	_ =	swait.ge [sflag:s19], $0x4000  }
0x58: {  	[sflag:s19] =	ssyncset.done $0x0  }
0x59: {  	[sflag:s19] =	ssyncadd.s32 $0xFFFFC000  }
.Ltmp1:
0x5a: {  	_ =	swait.ge [sflag:s19], $0x4000;
	(pc) =	sbr.rel @p0 .LBB2_1-.Ltmp1, $4  }
0x5b: {  	[sflag:s19] =	ssyncset.done $0x0  }
0x5c: {  	[sflag:s19] =	ssyncadd.s32 $0xFFFFC000  }
0x5d: {  	_ =	swait.ge [sflag:s19], $0x4000  }
0x5e: {  	[sflag:s19] =	ssyncset.done $0x0  }
.LBB2_2:
0x5f: {  	[sflag:s19] =	ssyncadd.s32 $0xFFFFC000  }
0x60: {  	_ =	sfence.sel $0x180000  }
0x61: {  	[bflag:$0x0] =	sbarrier.arrive $0xFFFF  }
0x62: {  	p0 =	sne.s32 s0, $0x0;
	_ =	strace $0x9000004A  }
0x63: {  	s0 =	sadd.s32 @!p0 $0x100000, s2;
	[bflag:$0x2] =	sbarrier.arrive $0xFFFF  }
0x64: {  	[sflag:s0] =	ssyncadd.tile.s32 @!p0 $0x1;
	_ =	shalt  }
.Lfunc_end2:
_tile_overlayer_lowered:
.L_overlay_start_2:
0x65: {  	(tag) =	ssettag $0x2  }
0x66: {  	s0 =	rddreg [dreg:$0x0];
	s2 =	stileid.u32  }
0x67: {  	s1 =	rddreg [dreg:$0x1];
	p0 =	sne.s32 s2, $0x0  }
0x68: {  	s3 =	rddreg [dreg:$0x2];
	[bflag:$0x3] =	sbarrier.arrive $0xFFFF;
	s2 =	simm.s32 @!p0 $0x1C04  }
0x69: {  	[timem:s3], [sflag:s2] =	dma.local @!p0 [hbm:s0], s1  }
0x6a: {  	s0 =	simm.s32 @!p0 $0x4  }
0x6b: {  	_ =	swait.ge @!p0 [sflag:s0], s1  }
0x6c: {  	s1 =	ssub.s32 @!p0 $0x0, s1;
	[sflag:s0] =	ssyncset.done @!p0 $0x0  }
0x6d: {  	[sflag:s0] =	ssyncadd.s32 @!p0 s1  }
0x6e: {  	[bflag:$0x3] =	sbarrier.arrive $0xFFFF  }
0x6f: {  	_ =	shalt  }

// kernel: kernel.9.cloned.1.call-start
scs
__scs_entry_jumppad:
0x0: {  	(pc) =	sbr.rel $0x88, $3  }
0x1: {  	(tag) =	ssettag $0x0;
	lr =	simm.s32 $0x1  }
0x2: {  	[smem:$0x3F9B] =	sst lr;
	_ =	strace $0xD0000000  }
0x3: {  	_ = 	snop  }
0x4: {  	_ = 	snop  }
0x5: {  	_ = 	snop  }
0x6: {  	_ = 	snop  }
0x7: {  	_ = 	snop  }
__scs_overlays_trampoline_lowered:
0x8: {  	[smem:$0x3FAA] =	sst s0  }
0x9: {  	[smem:$0x3FAB] =	sst s1  }
0xa: {  	[smem:$0x3FAC] =	sst s2  }
0xb: {  	[smem:$0x3FAD] =	sst s3  }
0xc: {  	[smem:$0x3FAE] =	sst s4  }
0xd: {  	[smem:$0x3FAF] =	sst s5  }
0xe: {  	[smem:$0x3FB0] =	sst s6  }
0xf: {  	[smem:$0x3FB1] =	sst s7  }
0x10: {  	[smem:$0x3FB2] =	sst s8  }
0x11: {  	[smem:$0x3FB3] =	sst s9;
	s0 =	simm.s32 @!p0 $0x0  }
0x12: {  	s1 =	sld [smem:$0x3F99];
	s0 =	simm.s32 @p0 $0x1  }
0x13: {  	[smem:$0x3FB4] =	sst s0;
	s0 =	simm.s32 @!p1 $0x0  }
0x14: {  	s2 =	sld [smem:$0x3F98];
	s0 =	simm.s32 @p1 $0x1  }
0x15: {  	[smem:$0x3FB5] =	sst s0;
	s0 =	simm.s32 @!p2 $0x0  }
0x16: {  	s3 =	sld [smem:$0x3FDB];
	s0 =	simm.s32 @p2 $0x1  }
0x17: {  	s4 =	simm.s32 $0x1BF5;
	[smem:$0x3FB7] =	sst s0  }
0x18: {  	s0 =	sld [smem:$0x3F9A];
	_ =	swait.ge [sflag:s4], $0x0  }
0x19: {  	s7 =	sld [smem:$0x3F9B]  }
0x1a: {  	s8 =	sadd.s32 $0xFFFFE003, lr  }
0x1b: {  	s9 =	sadd.s32 $0xFFFFFEF7, lr;
	s5 =	simm.s32 $0xFFFFFFFF;
	p2 =	slt.u32 s8, $0xFFFFF086  }
0x1c: {  	p1 =	slt.u32 s9, $0xF7A;
	s5 =	simm.s32 @!p2 $0x0  }
0x1d: {  	s5 =	simm.s32 @p1 $0x1;
	p0 =	seq.s32 s7, s2  }
0x1e: {  	s7 =	smul.u32 @!p0 $0xF7A, s2;
	p2 =	seq.s32 @!p0 s5, $0x0  }
0x1f: {  	s9 =	smul.u32 $0xF7A, s1;
	s8 =	simm.s32 @!p0 $0x1BF5;
	p2 =	por !p2, p0  }
0x20: {  	[sflag:s8] =	ssyncset.s32 @!p0 $0xFFFFF086;
	s6 =	sadd.s32 @!p0 s3, s7;
	s7 =	simm.s32 @!p0 $0x108  }
0x21: {  	s3 =	sadd.s32 s3, s9;
	s6 =	sadd.s32 @!p0 $0x88, s6;
	s7 =	simm.s32 @p2 $0x1082  }
0x22: {  	[simem:s7], [sflag:s8] =	dma.local @!p0 [hbm:s6], $0xF7A  }
0x23: {  	s9 =	sor.u32 $0xD0000000, s2;
	s6 =	simm.s32 $0x108;
	_ =	swait.ge @!p0 [sflag:s8], $0x0  }
0x24: {  	s3 =	sadd.s32 $0x88, s3;
	s6 =	simm.s32 @!p1 $0x1082;
	[sflag:s4] =	ssyncset.s32 $0xFFFFF086  }
0x25: {  	[simem:s6], [sflag:s4] =	dma.local [hbm:s3], $0xF7A  }
0x26: {  	[smem:$0x3F9B] =	sst s1;
	(tag) =	ssettag s2;
	_ =	strace s9  }
0x27: {  	s1 =	sld [smem:$0x3FAB]  }
0x28: {  	s2 =	sld [smem:$0x3FAC]  }
0x29: {  	s4 =	sld [smem:$0x3FAE]  }
0x2a: {  	p0 =	seq.s32 s5, $0x0;
	s5 =	sld [smem:$0x3FAF]  }
0x2b: {  	s6 =	sld [smem:$0x3FB0]  }
0x2c: {  	s7 =	sld [smem:$0x3FB1]  }
0x2d: {  	s3 =	simm.s32 $0x108;
	s8 =	sld [smem:$0x3FB2]  }
0x2e: {  	s3 =	simm.s32 @!p0 $0x1082;
	s9 =	sld [smem:$0x3FB3]  }
0x2f: {  	lr =	sadd.s32 s0, s3;
	s0 =	sld [smem:$0x3FAA]  }
0x30: {  	s3 =	sld [smem:$0x3FAD]  }
0x31: {  	[smem:$0x3FB6] =	sst s10  }
0x32: {  	s10 =	sld [smem:$0x3FB4];
	_ =	sdelay $0x3  }
0x33: {  	p0 =	seq.s32 s10, $0x1;
	s10 =	sld [smem:$0x3FB6];
	_ =	sdelay $0x3  }
0x34: {  	[smem:$0x3FB6] =	sst s10  }
0x35: {  	s10 =	sld [smem:$0x3FB5];
	_ =	sdelay $0x3  }
0x36: {  	p1 =	seq.s32 s10, $0x1;
	s10 =	sld [smem:$0x3FB6];
	_ =	sdelay $0x3  }
0x37: {  	[smem:$0x3FB6] =	sst s10  }
0x38: {  	s10 =	sld [smem:$0x3FB7]  }
0x39: {  	_ = 	snop;
	(pc) =	sbr.ind lr, $3  }
0x3a: {  	_ = 	snop  }
0x3b: {  	_ = 	snop  }
0x3c: {  	p2 =	seq.s32 s10, $0x1;
	s10 =	sld [smem:$0x3FB6]  }
0x3d: {  	_ =	shalt  }
0x3e: {  	_ =	shalt  }
0x3f: {  	_ =	shalt  }
0x40: {  	_ =	shalt  }
0x41: {  	_ =	shalt  }
0x42: {  	_ =	shalt  }
0x43: {  	_ =	shalt  }
0x44: {  	_ =	shalt  }
0x45: {  	_ =	shalt  }
0x46: {  	_ =	shalt  }
0x47: {  	_ =	shalt  }
0x48: {  	_ =	shalt  }
0x49: {  	_ =	shalt  }
0x4a: {  	_ =	shalt  }
0x4b: {  	_ =	shalt  }
0x4c: {  	_ =	shalt  }
0x4d: {  	_ =	shalt  }
0x4e: {  	_ =	shalt  }
0x4f: {  	_ =	shalt  }
0x50: {  	_ =	shalt  }
0x51: {  	_ =	shalt  }
0x52: {  	_ =	shalt  }
0x53: {  	_ =	shalt  }
0x54: {  	_ =	shalt  }
0x55: {  	_ =	shalt  }
0x56: {  	_ =	shalt  }
0x57: {  	_ =	shalt  }
0x58: {  	_ =	shalt  }
0x59: {  	_ =	shalt  }
0x5a: {  	_ =	shalt  }
0x5b: {  	_ =	shalt  }
0x5c: {  	_ =	shalt  }
0x5d: {  	_ =	shalt  }
0x5e: {  	_ =	shalt  }
0x5f: {  	_ =	shalt  }
0x60: {  	_ =	shalt  }
0x61: {  	_ =	shalt  }
0x62: {  	_ =	shalt  }
0x63: {  	_ =	shalt  }
0x64: {  	_ =	shalt  }
0x65: {  	_ =	shalt  }
0x66: {  	_ =	shalt  }
0x67: {  	_ =	shalt  }
0x68: {  	_ =	shalt  }
0x69: {  	_ =	shalt  }
0x6a: {  	_ =	shalt  }
0x6b: {  	_ =	shalt  }
0x6c: {  	_ =	shalt  }
0x6d: {  	_ =	shalt  }
0x6e: {  	_ =	shalt  }
0x6f: {  	_ =	shalt  }
0x70: {  	_ =	shalt  }
0x71: {  	_ =	shalt  }
0x72: {  	_ =	shalt  }
0x73: {  	_ =	shalt  }
0x74: {  	_ =	shalt  }
0x75: {  	_ =	shalt  }
0x76: {  	_ =	shalt  }
0x77: {  	_ =	shalt  }
0x78: {  	_ =	shalt  }
0x79: {  	_ =	shalt  }
0x7a: {  	_ =	shalt  }
0x7b: {  	_ =	shalt  }
0x7c: {  	_ =	shalt  }
0x7d: {  	_ =	shalt  }
0x7e: {  	_ =	shalt  }
0x7f: {  	_ =	shalt  }
0x80: {  	_ =	shalt  }
0x81: {  	_ =	shalt  }
0x82: {  	_ =	shalt  }
0x83: {  	_ =	shalt  }
0x84: {  	_ =	shalt  }
0x85: {  	_ =	shalt  }
0x86: {  	_ =	shalt  }
0x87: {  	_ =	shalt  }
.Lfunc_end0:
.L_simem_size_0:
called_computation.1_lowered:
.L_overlay_start_0:
0x88: {  	s2 =	sld [smem:$0x3FD9]  }
0x89: {  	s3 =	sld [smem:$0x3FFE];
	_ =	sdelay $0x1  }
0x8a: {  	s1 =	srdreg.scid  }
0x8b: {  	s0 =	sand.u32 $0x1, s1  }
0x8c: {  	s17 =	sshll.u32 s0, $0xA;
	s2 =	sadd.s32 s3, s2  }
0x8d: {  	s2 =	sadd.s32 s2, s17  }
0x8e: {  	[smem:$0x3FC2] =	sst s2  }
0x8f: {  	_ = 	snop  }
0x90: {  	s2 =	sld [smem:$0x3FC9]  }
0x91: {  	s18 =	sld [smem:$0x3FC8]  }
0x92: {  	s4 =	sld [smem:$0x3FC7]  }
0x93: {  	s5 =	sld [smem:$0x3FC6];
	(tm) =	ssettm $0x1  }
0x94: {  	s6 =	sld [smem:$0x3FFB];
	_ =	sdelay $0x3  }
0x95: {  	_ =	strace s6  }
0x96: {  	s6 =	sld [smem:$0x3FFC];
	_ =	sdelay $0x3  }
0x97: {  	_ =	strace s6  }
0x98: {  	s6 =	sld [smem:$0x3FFD];
	_ =	sdelay $0x3  }
0x99: {  	_ =	strace s6  }
0x9a: {  	_ =	strace $0x8FFFFFFF  }
0x9b: {  	s19 =	sld [smem:$0x3FDB];
	_ =	sdelay $0x1  }
0x9c: {  	s7 =	simm.s32 $_scs_section_size  }
0x9d: {  	s8 =	simm.s32 $_size__tile_overlayer_lowered;
	s9 =	simm.s32 $_tile_overlayer_lowered  }
0x9e: {  	s22 =	simm.s32 $0x1BFF;
	s21 =	sshll.u32 s9, $0x1;
	s6 =	sadd.s32 s7, s19  }
0x9f: {  	s10 =	simm.s32 $0x0;
	s20 =	sshll.u32 s8, $0x1;
	s8 =	sadd.s32 s21, s6  }
0xa0: {  	[timem:s10], [sflag:s22] =	dma.local [hbm:s8], s20  }
0xa1: {  	_ =	swait.ge [sflag:s22], s20  }
0xa2: {  	s7 =	ssub.s32 $0x0, s20;
	[sflag:s22] =	ssyncset.done $0x0  }
0xa3: {  	[sflag:s22] =	ssyncadd.s32 s7;
	_ =	sdelay $0x1  }
0xa4: {  	s23 =	simm.s32 $0x1B8B  }
0xa5: {  	_ =	swait.ge [sflag:s23], $0x1  }
0xa6: {  	[sflag:s23] =	ssyncset.done $0x0  }
0xa7: {  	s25 =	simm.s32 $0x1B8E;
	s24 =	sld [smem:$0x3FFE];
	[sflag:s23] =	ssyncadd.s32 $0xFFFFFFFF  }
0xa8: {  	s26 =	simm.s32 $execute0_lowered;
	[smem:$0x3FD2] =	sst s25  }
0xa9: {  	s8 =	sshll.u32 s26, $0x1;
	_ =	strace $0x80000046;
	[dreg:$0x1] =	wrdreg $0xFFFFFFFF  }
0xaa: {  	s28 =	simm.s32 $_size_execute0_lowered;
	s6 =	sadd.s32 s6, s8;
	[dreg:$0x0] =	wrdreg $0x0  }
0xab: {  	s8 =	sshll.u32 s28, $0x1;
	[dreg:$0x2] =	wrdreg s6  }
0xac: {  	[dreg:$0x3] =	wrdreg s8  }
0xad: {  	[dreg:$0x4] =	wrdreg $0xC0  }
0xae: {  	_ =	task [dreg:s10], $0x5FFFF  }
0xaf: {  	[dreg:$0x1] =	wrdreg $0xFFFFFFFF  }
0xb0: {  	[dreg:$0x0] =	wrdreg $0x60  }
0xb1: {  	[dreg:$0x2] =	wrdreg s2  }
0xb2: {  	[dreg:$0x3] =	wrdreg s18  }
0xb3: {  	[dreg:$0x4] =	wrdreg s4  }
0xb4: {  	[dreg:$0x5] =	wrdreg s5  }
0xb5: {  	[dreg:$0x6] =	wrdreg s24  }
0xb6: {  	[dreg:$0x7] =	wrdreg $0xA  }
0xb7: {  	_ =	task.clear_ibuf [dreg:s10], $0x8FFFF;
	_ =	strace $0x90000046  }
0xb8: {  	s29 =	simm.s32 $0xA;
	_ =	strace $0x80000048  }
0xb9: {  	_ =	swait.ge [sflag:s29], $0x1  }
0xba: {  	[sflag:s29] =	ssyncadd.s32 $0xFFFFFFFF  }
0xbb: {  	_ =	strace $0x90000048  }
0xbc: {  	_ =	sfence  }
0xbd: {  	s30 =	sld [smem:$0x0];
	_ =	sdelay $0x2  }
0xbe: {  	s31 =	sshll.u32 s1, $0xD;
	s1 =	sshrl.u32 s1, $0x2  }
0xbf: {  	s3 =	sand.u32 $0x4000, s31;
	s1 =	sadd.s32 s1, s30  }
0xc0: {  	s0 =	sor.u32 s3, s0;
	s1 =	sshll.u32 s1, $0x11  }
0xc1: {  	s0 =	sor.u32 s1, s0  }
0xc2: {  	s0 =	sadd.s32 $0x8F2B, s0  }
0xc3: {  	[sflag:s0] =	ssyncadd.remote.s32 $0x1  }
0xc4: {  	_ =	sfence.sel $0xFFFF  }
0xc5: {  	[dreg:$0x0] =	wrdreg $0xFFFFFFFF;
	(pc) =	sbr.abs _section_cstart, $3  }
0xc6: {  	[dreg:$0x1] =	wrdreg $0xFFFFFFFF  }
0xc7: {  	_ =	task.clear_ibuf [dreg:s10], $0x2FFFF;
	_ =	strace $0x9FFFFFFF  }
0xc8: {  	(tm) =	ssettm $0x7FFFFFFF  }
0xc9: {  	_ =	shalt  }
tec
execute0_lowered:
.L_overlay_start_1:
0x0: {  	(tag) =	ssettag $0x1  }
0x1: {  	s5 =	rddreg [dreg:$0x0];
	s2 =	srdreg.scid  }
0x2: {  	s6 =	rddreg [dreg:$0x1];
	s0 =	stileid.u32;
	s21 =	sand.u32 $0x1, s2  }
0x3: {  	s1 =	rddreg [dreg:$0x2];
	s30 =	sshll.u32 s0, $0x9;
	s4 =	sshll.u32 s21, $0x8  }
0x4: {  	s3 =	rddreg [dreg:$0x3];
	s16 =	sor.u32 s4, s30  }
0x5: {  	s18 =	rddreg [dreg:$0x4];
	s4 =	simm.s32 $0x0;
	s7 =	sshrl.u32 s16, $0x3  }
0x6: {  	[smem:$0x7FF] =	sst s4;
	s7 =	sor.u32 $0x400, s7  }
0x7: {  	s2 =	rddreg [dreg:$0x5];
	_ =	strace $0x80000047;
	s5 =	sadd.s32 s5, s7  }
0x8: {  	[tilespmem:s4], [sflag:$0x1] =	stream.linear.gather [hbm4b:s5+s4], $0x100, $0x38;
	[tilespmem:$0x10200] =	vst v63  }
0x9: {  	s8 =	simm.s32 $0x1;
	s6 =	sadd.s32 s6, s7;
	s7 =	simm.s32 $0x100  }
0xa: {  	[tilespmem:s7], [sflag:$0x1] =	stream.linear.gather [hbm4b:s6+s4], $0x100, $0x38;
	[tilespmem:$0x10200] =	vst v63  }
0xb: {  	_ =	swait.ge [sflag:s8], $0x100  }
0xc: {  	[sflag:s8] =	ssyncset.done $0x0  }
0xd: {  	[sflag:s8] =	ssyncadd.s32 $0xFFFFFF00  }
0xe: {  	_ =	swait.ge [sflag:s8], $0x100  }
0xf: {  	[sflag:s8] =	ssyncset.done $0x0  }
0x10: {  	s9 =	simm.s32 $0x80;
	s10 =	simm.s32 $0x200;
	[sflag:s8] =	ssyncadd.s32 $0xFFFFFF00  }
0x11: {  	[tilespmem:s10], [sflag:$0x2] =	stream.indirect.gather [hbm4b:s1+s9], $0x80, s4, s9, $0xb8;
	[tilespmem:$0x10200] =	vst v63  }
0x12: {  	s11 =	simm.s32 $0x4200  }
0x13: {  	[tilespmem:s11], [sflag:$0x2] =	stream.indirect.gather [hbm4b:s1+s9], $0x80, s9, s9, $0xb8;
	[tilespmem:$0x10200] =	vst v63  }
0x14: {  	s12 =	simm.s32 $0x8200  }
0x15: {  	[tilespmem:s12], [sflag:$0x2] =	stream.indirect.gather [hbm4b:s3+s9], $0x80, s7, s9, $0xb8;
	[tilespmem:$0x10200] =	vst v63  }
0x16: {  	s13 =	simm.s32 $0x180;
	s14 =	simm.s32 $0xC200;
	s15 =	simm.s32 $0x2  }
0x17: {  	[tilespmem:s14], [sflag:$0x2] =	stream.indirect.gather [hbm4b:s3+s9], $0x80, s13, s9, $0xb8;
	[tilespmem:$0x10200] =	vst v63  }
0x18: {  	_ =	swait.ge [sflag:s15], $0x4000  }
0x19: {  	s17 =	sadd.s32 $0x1C00, s18;
	s19 =	sshll.u32 s16, $0x4;
	[sflag:s15] =	ssyncset.done $0x0  }
0x1a: {  	s16 =	sadd.s32 s17, s19;
	[sflag:s15] =	ssyncadd.s32 $0xFFFFC000  }
0x1b: {  	[hbm4b:s16+s4] =	stream.linear.scatter [tilespmem:s10], [sflag:$0x3], $0x4000, $0x38;
	[tilespmem:$0x10200] =	vst v63  }
0x1c: {  	_ =	swait.ge [sflag:s15], $0x4000  }
0x1d: {  	s20 =	sor.u32 $0x800, s19;
	[sflag:s15] =	ssyncset.done $0x0  }
0x1e: {  	s17 =	sadd.s32 s17, s20;
	[sflag:s15] =	ssyncadd.s32 $0xFFFFC000  }
0x1f: {  	[hbm4b:s17+s4] =	stream.linear.scatter [tilespmem:s11], [sflag:$0x3], $0x4000, $0x38;
	[tilespmem:$0x10200] =	vst v63  }
0x20: {  	_ =	swait.ge [sflag:s15], $0x4000  }
0x21: {  	s22 =	sadd.s32 $0x21C00, s18;
	[sflag:s15] =	ssyncset.done $0x0  }
0x22: {  	s18 =	sadd.s32 s22, s19;
	[sflag:s15] =	ssyncadd.s32 $0xFFFFC000  }
0x23: {  	[hbm4b:s18+s4] =	stream.linear.scatter [tilespmem:s12], [sflag:$0x3], $0x4000, $0x38;
	[tilespmem:$0x10200] =	vst v63  }
0x24: {  	_ =	swait.ge [sflag:s15], $0x4000  }
0x25: {  	[sflag:s15] =	ssyncset.done $0x0  }
0x26: {  	s19 =	simm.s32 $0x3;
	s20 =	sadd.s32 s22, s20;
	[sflag:s15] =	ssyncadd.s32 $0xFFFFC000  }
0x27: {  	[hbm4b:s20+s4] =	stream.linear.scatter [tilespmem:s14], [sflag:$0x3], $0x4000, $0x38;
	[tilespmem:$0x10200] =	vst v63  }
0x28: {  	_ =	swait.ge [sflag:s19], $0x4000  }
0x29: {  	s21 =	ssub.s32 $0x2, s21;
	[sflag:s19] =	ssyncset.done $0x0  }
0x2a: {  	s31 =	sshrl.u32 s21, $0x1;
	[sflag:s19] =	ssyncadd.s32 $0xFFFFC000  }
0x2b: {  	s21 =	ssub.s32 s21, s31;
	_ =	swait.ge [sflag:s19], $0x4000  }
0x2c: {  	s21 =	smax.u32 s21, $0x1;
	[sflag:s19] =	ssyncset.done $0x0  }
0x2d: {  	p0 =	sne.s32 s21, $0x1;
	[sflag:s19] =	ssyncadd.s32 $0xFFFFC000  }
.Ltmp0:
0x2e: {  	_ =	swait.ge [sflag:s19], $0x4000;
	(pc) =	sbr.rel @!p0 .LBB2_2-.Ltmp0, $4  }
0x2f: {  	[sflag:s19] =	ssyncset.done $0x0  }
0x30: {  	[sflag:s19] =	ssyncadd.s32 $0xFFFFC000  }
0x31: {  	_ =	swait.ge [sflag:s19], $0x4000  }
0x32: {  	s21 =	sadd.s32 $0xFFFFFFFF, s21;
	[sflag:s19] =	ssyncset.done $0x0  }
.LBB2_1:
0x33: {  	p0 =	sne.s32 s21, $0x1;
	s21 =	sadd.s32 $0xFFFFFFFF, s21;
	[sflag:s19] =	ssyncadd.s32 $0xFFFFC000  }
0x34: {  	[tilespmem:s4], [sflag:$0x1] =	stream.linear.gather [hbm4b:s5+s4], $0x100, $0x38;
	[tilespmem:$0x10200] =	vst v63  }
0x35: {  	_ = 	snop  }
0x36: {  	[tilespmem:s7], [sflag:$0x1] =	stream.linear.gather [hbm4b:s6+s4], $0x100, $0x38;
	[tilespmem:$0x10200] =	vst v63  }
0x37: {  	_ =	swait.ge [sflag:s8], $0x100  }
0x38: {  	[sflag:s8] =	ssyncset.done $0x0  }
0x39: {  	[sflag:s8] =	ssyncadd.s32 $0xFFFFFF00  }
0x3a: {  	_ =	swait.ge [sflag:s8], $0x100  }
0x3b: {  	[sflag:s8] =	ssyncset.done $0x0  }
0x3c: {  	[sflag:s8] =	ssyncadd.s32 $0xFFFFFF00  }
0x3d: {  	[tilespmem:s10], [sflag:$0x2] =	stream.indirect.gather [hbm4b:s1+s9], $0x80, s4, s9, $0xb8;
	[tilespmem:$0x10200] =	vst v63  }
0x3e: {  	_ = 	snop  }
0x3f: {  	[tilespmem:s11], [sflag:$0x2] =	stream.indirect.gather [hbm4b:s1+s9], $0x80, s9, s9, $0xb8;
	[tilespmem:$0x10200] =	vst v63  }
0x40: {  	_ = 	snop  }
0x41: {  	[tilespmem:s12], [sflag:$0x2] =	stream.indirect.gather [hbm4b:s3+s9], $0x80, s7, s9, $0xb8;
	[tilespmem:$0x10200] =	vst v63  }
0x42: {  	_ = 	snop  }
0x43: {  	[tilespmem:s14], [sflag:$0x2] =	stream.indirect.gather [hbm4b:s3+s9], $0x80, s13, s9, $0xb8;
	[tilespmem:$0x10200] =	vst v63  }
0x44: {  	_ =	swait.ge [sflag:s15], $0x4000  }
0x45: {  	[sflag:s15] =	ssyncset.done $0x0  }
0x46: {  	[sflag:s15] =	ssyncadd.s32 $0xFFFFC000  }
0x47: {  	[hbm4b:s16+s4] =	stream.linear.scatter [tilespmem:s10], [sflag:$0x3], $0x4000, $0x38;
	[tilespmem:$0x10200] =	vst v63  }
0x48: {  	_ =	swait.ge [sflag:s15], $0x4000  }
0x49: {  	[sflag:s15] =	ssyncset.done $0x0  }
0x4a: {  	[sflag:s15] =	ssyncadd.s32 $0xFFFFC000  }
0x4b: {  	[hbm4b:s17+s4] =	stream.linear.scatter [tilespmem:s11], [sflag:$0x3], $0x4000, $0x38;
	[tilespmem:$0x10200] =	vst v63  }
0x4c: {  	_ =	swait.ge [sflag:s15], $0x4000  }
0x4d: {  	[sflag:s15] =	ssyncset.done $0x0  }
0x4e: {  	[sflag:s15] =	ssyncadd.s32 $0xFFFFC000  }
0x4f: {  	[hbm4b:s18+s4] =	stream.linear.scatter [tilespmem:s12], [sflag:$0x3], $0x4000, $0x38;
	[tilespmem:$0x10200] =	vst v63  }
0x50: {  	_ =	swait.ge [sflag:s15], $0x4000  }
0x51: {  	[sflag:s15] =	ssyncset.done $0x0  }
0x52: {  	[sflag:s15] =	ssyncadd.s32 $0xFFFFC000  }
0x53: {  	[hbm4b:s20+s4] =	stream.linear.scatter [tilespmem:s14], [sflag:$0x3], $0x4000, $0x38;
	[tilespmem:$0x10200] =	vst v63  }
0x54: {  	_ =	swait.ge [sflag:s19], $0x4000  }
0x55: {  	[sflag:s19] =	ssyncset.done $0x0  }
0x56: {  	[sflag:s19] =	ssyncadd.s32 $0xFFFFC000  }
0x57: {  	_ =	swait.ge [sflag:s19], $0x4000  }
0x58: {  	[sflag:s19] =	ssyncset.done $0x0  }
0x59: {  	[sflag:s19] =	ssyncadd.s32 $0xFFFFC000  }
.Ltmp1:
0x5a: {  	_ =	swait.ge [sflag:s19], $0x4000;
	(pc) =	sbr.rel @p0 .LBB2_1-.Ltmp1, $4  }
0x5b: {  	[sflag:s19] =	ssyncset.done $0x0  }
0x5c: {  	[sflag:s19] =	ssyncadd.s32 $0xFFFFC000  }
0x5d: {  	_ =	swait.ge [sflag:s19], $0x4000  }
0x5e: {  	[sflag:s19] =	ssyncset.done $0x0  }
.LBB2_2:
0x5f: {  	[sflag:s19] =	ssyncadd.s32 $0xFFFFC000  }
0x60: {  	_ =	sfence.sel $0x180000  }
0x61: {  	[bflag:$0x0] =	sbarrier.arrive $0xFFFF  }
0x62: {  	p0 =	sne.s32 s0, $0x0;
	_ =	strace $0x90000047  }
0x63: {  	s0 =	sadd.s32 @!p0 $0x100000, s2;
	[bflag:$0x2] =	sbarrier.arrive $0xFFFF  }
0x64: {  	[sflag:s0] =	ssyncadd.tile.s32 @!p0 $0x1;
	_ =	shalt  }
.Lfunc_end2:
_tile_overlayer_lowered:
.L_overlay_start_2:
0x65: {  	(tag) =	ssettag $0x2  }
0x66: {  	s0 =	rddreg [dreg:$0x0];
	s2 =	stileid.u32  }
0x67: {  	s1 =	rddreg [dreg:$0x1];
	p0 =	sne.s32 s2, $0x0  }
0x68: {  	s3 =	rddreg [dreg:$0x2];
	[bflag:$0x3] =	sbarrier.arrive $0xFFFF;
	s2 =	simm.s32 @!p0 $0x1C04  }
0x69: {  	[timem:s3], [sflag:s2] =	dma.local @!p0 [hbm:s0], s1  }
0x6a: {  	s0 =	simm.s32 @!p0 $0x4  }
0x6b: {  	_ =	swait.ge @!p0 [sflag:s0], s1  }
0x6c: {  	s1 =	ssub.s32 @!p0 $0x0, s1;
	[sflag:s0] =	ssyncset.done @!p0 $0x0  }
0x6d: {  	[sflag:s0] =	ssyncadd.s32 @!p0 s1  }
0x6e: {  	[bflag:$0x3] =	sbarrier.arrive $0xFFFF  }
0x6f: {  	_ =	shalt  }

</sc_bundles>
